<compile_context>
chip_gen: v7x
topology: tpu7x:2x2x1
jax: 0.10.2.dev20260603
libtpu: 0.0.44.dev20260713+nightly
codegen_flags: <defaults>
</compile_context>

<pallas_src>
import functools

import jax
import jax.numpy as jnp
from jax import lax
from jax.experimental import pallas as pl
from jax.experimental.pallas import tpu as pltpu
from jax.experimental.pallas import tpu_sc as plsc

_D = 768
_B = 4096 * 200

_C = 32
_NB = 4
_LOOK = 3


@functools.lru_cache(maxsize=None)
def _build_gather():
    info = plsc.get_sparse_core_info()
    nc, ns = info.num_cores, info.num_subcores
    nw = nc * ns
    b_per_w = _B // nw
    n_chunk = b_per_w // _C

    mesh = plsc.VectorSubcoreMesh(core_axis_name="c", subcore_axis_name="s")

    @functools.partial(
        pl.kernel,
        mesh=mesh,
        out_type=jax.ShapeDtypeStruct((_B, _D), jnp.float32),
        scratch_types=[
            pltpu.VMEM((b_per_w,), jnp.int32),
            pltpu.VMEM((_NB, _C, _D), jnp.float32),
        ] + [pltpu.SemaphoreType.DMA] * (2 * _NB),
    )
    def gather_k(table_hbm, idx_hbm, out_hbm, idx_v, rows_v, *sems):
        gs = sems[:_NB]
        ws = sems[_NB:]
        wid = lax.axis_index("s") * nc + lax.axis_index("c")
        base = wid * b_per_w
        pltpu.sync_copy(idx_hbm.at[pl.ds(base, b_per_w)], idx_v)

        def start_gather(g, slot):
            pltpu.make_async_copy(
                table_hbm.at[idx_v.at[pl.ds(g * _C, _C)]],
                rows_v.at[slot], gs[slot]).start()

        def wait_gather(slot):
            pltpu.make_async_copy(
                table_hbm.at[pl.ds(0, _C)], rows_v.at[slot], gs[slot]).wait()

        def start_wb(g, slot):
            pltpu.make_async_copy(
                rows_v.at[slot],
                out_hbm.at[pl.ds(base + g * _C, _C)], ws[slot]).start()

        def wait_wb(slot):
            pltpu.make_async_copy(
                rows_v.at[slot], out_hbm.at[pl.ds(0, _C)], ws[slot]).wait()

        for q in range(_LOOK):
            start_gather(q, q % _NB)

        def step(g, b):
            wait_gather(b)
            start_wb(g, b)
            return g + _LOOK, (b + _LOOK) % _NB

        for b in range(_NB):
            q, slot = step(b, b)
            if q >= _NB:
                wait_wb(slot)
            start_gather(q, slot)

        def body(k, carry):
            for b in range(_NB):
                q, slot = step(k * _NB + b, b)
                wait_wb(slot)
                start_gather(q, slot)
            return carry

        lax.fori_loop(1, n_chunk // _NB - 1, body, 0)

        for b in range(_NB):
            q, slot = step(n_chunk - _NB + b, b)
            if q < n_chunk:
                wait_wb(slot)
                start_gather(q, slot)
        for b in range(_NB):
            wait_wb(b)

    return gather_k


def kernel(x, W):
    idx = x.reshape(-1).astype(jnp.int32)
    out = _build_gather()(W, idx)
    return out.reshape(x.shape + (W.shape[1],))

# --- scband reference (transcript-rebuilt; emitter-appended) ---
"""Pipeline reference for scband-word-embedding-35648228557154 (READ-ONLY COPY).

The authoritative reference and input builder live on the scoring server;
editing this copy changes nothing except your own understanding.
"""

import jax, jax.numpy as jnp
import numpy as np

VOCAB = 32128
EMB_DIM = 768

def setup_inputs(seed: int = 0) -> dict:
    key = jax.random.key(seed)
    k_idx, k_w = jax.random.split(key)
    x = jax.random.randint(k_idx, (4096, 200), 0, VOCAB, dtype=jnp.int64)
    # pretrained embedding table stand-in (t5-base get_input_embeddings().weight)
    W = jax.random.normal(k_w, (VOCAB, EMB_DIM), dtype=jnp.float32) * 0.02
    return {"x": x, "W": W}

def reference(x, W):
    # nn.Embedding.from_pretrained(weight)(x) == gather rows of W by x
    out = jnp.take(W, x, axis=0)
    return out

if __name__ == "__main__":
    import jax
    _d = setup_inputs()
    print(jax.jit(kernel)(*tuple(_d.values())))

</pallas_src>

<mosaic_0001>
#map = affine_map<(d0, d1) -> (0, 0)>
#map1 = affine_map<(d0, d1) -> (0)>
module attributes {stable_mosaic.version = 14 : i64} {
  func.func @gather_k(%arg0: i32, %arg1: i32, %arg2: memref<32128x768xf32, #tpu.memory_space<hbm>>, %arg3: memref<819200xi32, #tpu.memory_space<hbm>>, %arg4: memref<819200x768xf32, #tpu.memory_space<hbm>>, %arg5: memref<25600xi32, #tpu.memory_space<vmem>>, %arg6: memref<4x32x768xf32, #tpu.memory_space<vmem>>, %arg7: memref<!tpu.dma_semaphore, #tpu.memory_space<semaphore_mem>>, %arg8: memref<!tpu.dma_semaphore, #tpu.memory_space<semaphore_mem>>, %arg9: memref<!tpu.dma_semaphore, #tpu.memory_space<semaphore_mem>>, %arg10: memref<!tpu.dma_semaphore, #tpu.memory_space<semaphore_mem>>, %arg11: memref<!tpu.dma_semaphore, #tpu.memory_space<semaphore_mem>>, %arg12: memref<!tpu.dma_semaphore, #tpu.memory_space<semaphore_mem>>, %arg13: memref<!tpu.dma_semaphore, #tpu.memory_space<semaphore_mem>>, %arg14: memref<!tpu.dma_semaphore, #tpu.memory_space<semaphore_mem>>) attributes {dimension_semantics = [#tpu.dimension_semantics<core_parallel>, #tpu.dimension_semantics<subcore_parallel>], iteration_bounds = array<i64: 2, 16>, scalar_prefetch = 0 : i64, scratch_operands = 10 : i64, tpu.core_type = #tpu.core_type<sc_vector_subcore>, window_params = [{transform_indices = #map}, {transform_indices = #map1}, {transform_indices = #map}]} {
    %mul3A = arith.constant 2 : i32
    %mul3A_0 = arith.muli %arg1, %mul3A : i32
    %add3A = arith.addi %mul3A_0, %arg0 : i32
    %mul3A_1 = arith.constant 25600 : i32
    %mul3A_2 = arith.muli %add3A, %mul3A_1 : i32
    "tpu.region"() ({
      %run_scoped3A = tpu.sem_alloc : memref<!tpu.dma_semaphore, #tpu.memory_space<semaphore_mem>>
      %dma_start3A_446 = tpu.memref_slice %arg3[%mul3A_2] : memref<819200xi32, #tpu.memory_space<hbm>> -> memref<25600xi32, #tpu.memory_space<hbm>>
      %dma_start3A_447 = tpu.memref_slice %arg3[%mul3A_2] : memref<819200xi32, #tpu.memory_space<hbm>> -> memref<25600xi32, #tpu.memory_space<hbm>>
      tpu.enqueue_dma source(%dma_start3A_447 : memref<25600xi32, #tpu.memory_space<hbm>>) target(%arg5 : memref<25600xi32, #tpu.memory_space<vmem>>) target_semaphore(%run_scoped3A : memref<!tpu.dma_semaphore, #tpu.memory_space<semaphore_mem>>)
      %dma_wait3A_448 = tpu.memref_slice %arg3[%mul3A_2] : memref<819200xi32, #tpu.memory_space<hbm>> -> memref<25600xi32, #tpu.memory_space<hbm>>
      %dma_wait3A_449 = tpu.memref_slice %arg3[%mul3A_2] : memref<819200xi32, #tpu.memory_space<hbm>> -> memref<25600xi32, #tpu.memory_space<hbm>>
      tpu.wait_dma2 semaphore(%run_scoped3A : memref<!tpu.dma_semaphore, #tpu.memory_space<semaphore_mem>>) src(%dma_wait3A_449 : memref<25600xi32, #tpu.memory_space<hbm>>) dst(%arg5 : memref<25600xi32, #tpu.memory_space<vmem>>)
      tpu.yield
    }) : () -> ()
    %dma_start3A = arith.constant 0 : i32
    %dma_start3A_3 = arith.constant 0 : i32
    %dma_start3A_4 = arith.constant 0 : i32
    %dma_start3A_5 = tpu.memref_slice %arg6[%dma_start3A, %dma_start3A_3, %dma_start3A_4] : memref<4x32x768xf32, #tpu.memory_space<vmem>> -> memref<1x32x768xf32, #tpu.memory_space<vmem>>
    %dma_start3A_6 = tpu.memref_squeeze %dma_start3A_5 : memref<1x32x768xf32, #tpu.memory_space<vmem>> -> memref<32x768xf32, #tpu.memory_space<vmem>>
    %dma_start3A_7 = arith.constant 0 : i32
    %dma_start3A_8 = tpu.memref_slice %arg5[%dma_start3A_7] : memref<25600xi32, #tpu.memory_space<vmem>> -> memref<32xi32, #tpu.memory_space<vmem>>
    %dma_start3A_9 = arith.constant 0 : i32
    %dma_start3A_10 = arith.constant 0 : i32
    %dma_start3A_11 = tpu.memref_slice %arg2[%dma_start3A_9, %dma_start3A_10] : memref<32128x768xf32, #tpu.memory_space<hbm>> -> memref<32128x768xf32, #tpu.memory_space<hbm>>
    tpu.enqueue_indirect_dma source(%dma_start3A_11 : memref<32128x768xf32, #tpu.memory_space<hbm>>) target(%dma_start3A_6 : memref<32x768xf32, #tpu.memory_space<vmem>>) offsets(%dma_start3A_8 : memref<32xi32, #tpu.memory_space<vmem>>) semaphore(%arg7 : memref<!tpu.dma_semaphore, #tpu.memory_space<semaphore_mem>>)
    %dma_start3A_12 = arith.constant 1 : i32
    %dma_start3A_13 = arith.constant 0 : i32
    %dma_start3A_14 = arith.constant 0 : i32
    %dma_start3A_15 = tpu.memref_slice %arg6[%dma_start3A_12, %dma_start3A_13, %dma_start3A_14] : memref<4x32x768xf32, #tpu.memory_space<vmem>> -> memref<1x32x768xf32, #tpu.memory_space<vmem>>
    %dma_start3A_16 = tpu.memref_squeeze %dma_start3A_15 : memref<1x32x768xf32, #tpu.memory_space<vmem>> -> memref<32x768xf32, #tpu.memory_space<vmem>>
    %dma_start3A_17 = arith.constant 32 : i32
    %dma_start3A_18 = tpu.memref_slice %arg5[%dma_start3A_17] : memref<25600xi32, #tpu.memory_space<vmem>> -> memref<32xi32, #tpu.memory_space<vmem>>
    %dma_start3A_19 = arith.constant 0 : i32
    %dma_start3A_20 = arith.constant 0 : i32
    %dma_start3A_21 = tpu.memref_slice %arg2[%dma_start3A_19, %dma_start3A_20] : memref<32128x768xf32, #tpu.memory_space<hbm>> -> memref<32128x768xf32, #tpu.memory_space<hbm>>
    tpu.enqueue_indirect_dma source(%dma_start3A_21 : memref<32128x768xf32, #tpu.memory_space<hbm>>) target(%dma_start3A_16 : memref<32x768xf32, #tpu.memory_space<vmem>>) offsets(%dma_start3A_18 : memref<32xi32, #tpu.memory_space<vmem>>) semaphore(%arg8 : memref<!tpu.dma_semaphore, #tpu.memory_space<semaphore_mem>>)
    %dma_start3A_22 = arith.constant 2 : i32
    %dma_start3A_23 = arith.constant 0 : i32
    %dma_start3A_24 = arith.constant 0 : i32
    %dma_start3A_25 = tpu.memref_slice %arg6[%dma_start3A_22, %dma_start3A_23, %dma_start3A_24] : memref<4x32x768xf32, #tpu.memory_space<vmem>> -> memref<1x32x768xf32, #tpu.memory_space<vmem>>
    %dma_start3A_26 = tpu.memref_squeeze %dma_start3A_25 : memref<1x32x768xf32, #tpu.memory_space<vmem>> -> memref<32x768xf32, #tpu.memory_space<vmem>>
    %dma_start3A_27 = arith.constant 64 : i32
    %dma_start3A_28 = tpu.memref_slice %arg5[%dma_start3A_27] : memref<25600xi32, #tpu.memory_space<vmem>> -> memref<32xi32, #tpu.memory_space<vmem>>
    %dma_start3A_29 = arith.constant 0 : i32
    %dma_start3A_30 = arith.constant 0 : i32
    %dma_start3A_31 = tpu.memref_slice %arg2[%dma_start3A_29, %dma_start3A_30] : memref<32128x768xf32, #tpu.memory_space<hbm>> -> memref<32128x768xf32, #tpu.memory_space<hbm>>
    tpu.enqueue_indirect_dma source(%dma_start3A_31 : memref<32128x768xf32, #tpu.memory_space<hbm>>) target(%dma_start3A_26 : memref<32x768xf32, #tpu.memory_space<vmem>>) offsets(%dma_start3A_28 : memref<32xi32, #tpu.memory_space<vmem>>) semaphore(%arg9 : memref<!tpu.dma_semaphore, #tpu.memory_space<semaphore_mem>>)
    %dma_wait3A = arith.constant 0 : i32
    %dma_wait3A_32 = arith.constant 0 : i32
    %dma_wait3A_33 = arith.constant 0 : i32
    %dma_wait3A_34 = tpu.memref_slice %arg6[%dma_wait3A, %dma_wait3A_32, %dma_wait3A_33] : memref<4x32x768xf32, #tpu.memory_space<vmem>> -> memref<1x32x768xf32, #tpu.memory_space<vmem>>
    %dma_wait3A_35 = tpu.memref_squeeze %dma_wait3A_34 : memref<1x32x768xf32, #tpu.memory_space<vmem>> -> memref<32x768xf32, #tpu.memory_space<vmem>>
    %dma_wait3A_36 = arith.constant 0 : i32
    %dma_wait3A_37 = arith.constant 0 : i32
    %dma_wait3A_38 = tpu.memref_slice %arg2[%dma_wait3A_36, %dma_wait3A_37] : memref<32128x768xf32, #tpu.memory_space<hbm>> -> memref<32x768xf32, #tpu.memory_space<hbm>>
    %dma_wait3A_39 = arith.constant 0 : i32
    %dma_wait3A_40 = arith.constant 0 : i32
    %dma_wait3A_41 = tpu.memref_slice %arg6[%dma_wait3A, %dma_wait3A_39, %dma_wait3A_40] : memref<4x32x768xf32, #tpu.memory_space<vmem>> -> memref<1x32x768xf32, #tpu.memory_space<vmem>>
    %dma_wait3A_42 = tpu.memref_squeeze %dma_wait3A_41 : memref<1x32x768xf32, #tpu.memory_space<vmem>> -> memref<32x768xf32, #tpu.memory_space<vmem>>
    %dma_wait3A_43 = arith.constant 0 : i32
    %dma_wait3A_44 = arith.constant 0 : i32
    %dma_wait3A_45 = tpu.memref_slice %arg2[%dma_wait3A_43, %dma_wait3A_44] : memref<32128x768xf32, #tpu.memory_space<hbm>> -> memref<32x768xf32, #tpu.memory_space<hbm>>
    tpu.wait_dma2 semaphore(%arg7 : memref<!tpu.dma_semaphore, #tpu.memory_space<semaphore_mem>>) src(%dma_wait3A_45 : memref<32x768xf32, #tpu.memory_space<hbm>>) dst(%dma_wait3A_42 : memref<32x768xf32, #tpu.memory_space<vmem>>)
    %add3A_46 = arith.constant 0 : i32
    %add3A_47 = arith.addi %mul3A_2, %add3A_46 : i32
    %dma_start3A_48 = arith.constant 0 : i32
    %dma_start3A_49 = arith.constant 0 : i32
    %dma_start3A_50 = arith.constant 0 : i32
    %dma_start3A_51 = tpu.memref_slice %arg6[%dma_start3A_48, %dma_start3A_49, %dma_start3A_50] : memref<4x32x768xf32, #tpu.memory_space<vmem>> -> memref<1x32x768xf32, #tpu.memory_space<vmem>>
    %dma_start3A_52 = tpu.memref_squeeze %dma_start3A_51 : memref<1x32x768xf32, #tpu.memory_space<vmem>> -> memref<32x768xf32, #tpu.memory_space<vmem>>
    %dma_start3A_53 = arith.constant 0 : i32
    %dma_start3A_54 = tpu.memref_slice %arg4[%add3A_47, %dma_start3A_53] : memref<819200x768xf32, #tpu.memory_space<hbm>> -> memref<32x768xf32, #tpu.memory_space<hbm>>
    %dma_start3A_55 = arith.constant 0 : i32
    %dma_start3A_56 = tpu.memref_slice %arg4[%add3A_47, %dma_start3A_55] : memref<819200x768xf32, #tpu.memory_space<hbm>> -> memref<32x768xf32, #tpu.memory_space<hbm>>
    %dma_start3A_57 = arith.constant 0 : i32
    %dma_start3A_58 = arith.constant 0 : i32
    %dma_start3A_59 = tpu.memref_slice %arg6[%dma_start3A_48, %dma_start3A_57, %dma_start3A_58] : memref<4x32x768xf32, #tpu.memory_space<vmem>> -> memref<1x32x768xf32, #tpu.memory_space<vmem>>
    %dma_start3A_60 = tpu.memref_squeeze %dma_start3A_59 : memref<1x32x768xf32, #tpu.memory_space<vmem>> -> memref<32x768xf32, #tpu.memory_space<vmem>>
    tpu.enqueue_dma source(%dma_start3A_60 : memref<32x768xf32, #tpu.memory_space<vmem>>) target(%dma_start3A_56 : memref<32x768xf32, #tpu.memory_space<hbm>>) target_semaphore(%arg11 : memref<!tpu.dma_semaphore, #tpu.memory_space<semaphore_mem>>)
    %dma_start3A_61 = arith.constant 3 : i32
    %dma_start3A_62 = arith.constant 0 : i32
    %dma_start3A_63 = arith.constant 0 : i32
    %dma_start3A_64 = tpu.memref_slice %arg6[%dma_start3A_61, %dma_start3A_62, %dma_start3A_63] : memref<4x32x768xf32, #tpu.memory_space<vmem>> -> memref<1x32x768xf32, #tpu.memory_space<vmem>>
    %dma_start3A_65 = tpu.memref_squeeze %dma_start3A_64 : memref<1x32x768xf32, #tpu.memory_space<vmem>> -> memref<32x768xf32, #tpu.memory_space<vmem>>
    %dma_start3A_66 = arith.constant 96 : i32
    %dma_start3A_67 = tpu.memref_slice %arg5[%dma_start3A_66] : memref<25600xi32, #tpu.memory_space<vmem>> -> memref<32xi32, #tpu.memory_space<vmem>>
    %dma_start3A_68 = arith.constant 0 : i32
    %dma_start3A_69 = arith.constant 0 : i32
    %dma_start3A_70 = tpu.memref_slice %arg2[%dma_start3A_68, %dma_start3A_69] : memref<32128x768xf32, #tpu.memory_space<hbm>> -> memref<32128x768xf32, #tpu.memory_space<hbm>>
    tpu.enqueue_indirect_dma source(%dma_start3A_70 : memref<32128x768xf32, #tpu.memory_space<hbm>>) target(%dma_start3A_65 : memref<32x768xf32, #tpu.memory_space<vmem>>) offsets(%dma_start3A_67 : memref<32xi32, #tpu.memory_space<vmem>>) semaphore(%arg10 : memref<!tpu.dma_semaphore, #tpu.memory_space<semaphore_mem>>)
    %dma_wait3A_71 = arith.constant 1 : i32
    %dma_wait3A_72 = arith.constant 0 : i32
    %dma_wait3A_73 = arith.constant 0 : i32
    %dma_wait3A_74 = tpu.memref_slice %arg6[%dma_wait3A_71, %dma_wait3A_72, %dma_wait3A_73] : memref<4x32x768xf32, #tpu.memory_space<vmem>> -> memref<1x32x768xf32, #tpu.memory_space<vmem>>
    %dma_wait3A_75 = tpu.memref_squeeze %dma_wait3A_74 : memref<1x32x768xf32, #tpu.memory_space<vmem>> -> memref<32x768xf32, #tpu.memory_space<vmem>>
    %dma_wait3A_76 = arith.constant 0 : i32
    %dma_wait3A_77 = arith.constant 0 : i32
    %dma_wait3A_78 = tpu.memref_slice %arg2[%dma_wait3A_76, %dma_wait3A_77] : memref<32128x768xf32, #tpu.memory_space<hbm>> -> memref<32x768xf32, #tpu.memory_space<hbm>>
    %dma_wait3A_79 = arith.constant 0 : i32
    %dma_wait3A_80 = arith.constant 0 : i32
    %dma_wait3A_81 = tpu.memref_slice %arg6[%dma_wait3A_71, %dma_wait3A_79, %dma_wait3A_80] : memref<4x32x768xf32, #tpu.memory_space<vmem>> -> memref<1x32x768xf32, #tpu.memory_space<vmem>>
    %dma_wait3A_82 = tpu.memref_squeeze %dma_wait3A_81 : memref<1x32x768xf32, #tpu.memory_space<vmem>> -> memref<32x768xf32, #tpu.memory_space<vmem>>
    %dma_wait3A_83 = arith.constant 0 : i32
    %dma_wait3A_84 = arith.constant 0 : i32
    %dma_wait3A_85 = tpu.memref_slice %arg2[%dma_wait3A_83, %dma_wait3A_84] : memref<32128x768xf32, #tpu.memory_space<hbm>> -> memref<32x768xf32, #tpu.memory_space<hbm>>
    tpu.wait_dma2 semaphore(%arg8 : memref<!tpu.dma_semaphore, #tpu.memory_space<semaphore_mem>>) src(%dma_wait3A_85 : memref<32x768xf32, #tpu.memory_space<hbm>>) dst(%dma_wait3A_82 : memref<32x768xf32, #tpu.memory_space<vmem>>)
    %add3A_86 = arith.constant 32 : i32
    %add3A_87 = arith.addi %mul3A_2, %add3A_86 : i32
    %dma_start3A_88 = arith.constant 1 : i32
    %dma_start3A_89 = arith.constant 0 : i32
    %dma_start3A_90 = arith.constant 0 : i32
    %dma_start3A_91 = tpu.memref_slice %arg6[%dma_start3A_88, %dma_start3A_89, %dma_start3A_90] : memref<4x32x768xf32, #tpu.memory_space<vmem>> -> memref<1x32x768xf32, #tpu.memory_space<vmem>>
    %dma_start3A_92 = tpu.memref_squeeze %dma_start3A_91 : memref<1x32x768xf32, #tpu.memory_space<vmem>> -> memref<32x768xf32, #tpu.memory_space<vmem>>
    %dma_start3A_93 = arith.constant 0 : i32
    %dma_start3A_94 = tpu.memref_slice %arg4[%add3A_87, %dma_start3A_93] : memref<819200x768xf32, #tpu.memory_space<hbm>> -> memref<32x768xf32, #tpu.memory_space<hbm>>
    %dma_start3A_95 = arith.constant 0 : i32
    %dma_start3A_96 = tpu.memref_slice %arg4[%add3A_87, %dma_start3A_95] : memref<819200x768xf32, #tpu.memory_space<hbm>> -> memref<32x768xf32, #tpu.memory_space<hbm>>
    %dma_start3A_97 = arith.constant 0 : i32
    %dma_start3A_98 = arith.constant 0 : i32
    %dma_start3A_99 = tpu.memref_slice %arg6[%dma_start3A_88, %dma_start3A_97, %dma_start3A_98] : memref<4x32x768xf32, #tpu.memory_space<vmem>> -> memref<1x32x768xf32, #tpu.memory_space<vmem>>
    %dma_start3A_100 = tpu.memref_squeeze %dma_start3A_99 : memref<1x32x768xf32, #tpu.memory_space<vmem>> -> memref<32x768xf32, #tpu.memory_space<vmem>>
    tpu.enqueue_dma source(%dma_start3A_100 : memref<32x768xf32, #tpu.memory_space<vmem>>) target(%dma_start3A_96 : memref<32x768xf32, #tpu.memory_space<hbm>>) target_semaphore(%arg12 : memref<!tpu.dma_semaphore, #tpu.memory_space<semaphore_mem>>)
    %dma_wait3A_101 = arith.constant 0 : i32
    %dma_wait3A_102 = arith.constant 0 : i32
    %dma_wait3A_103 = arith.constant 0 : i32
    %dma_wait3A_104 = tpu.memref_slice %arg6[%dma_wait3A_101, %dma_wait3A_102, %dma_wait3A_103] : memref<4x32x768xf32, #tpu.memory_space<vmem>> -> memref<1x32x768xf32, #tpu.memory_space<vmem>>
    %dma_wait3A_105 = tpu.memref_squeeze %dma_wait3A_104 : memref<1x32x768xf32, #tpu.memory_space<vmem>> -> memref<32x768xf32, #tpu.memory_space<vmem>>
    %dma_wait3A_106 = arith.constant 0 : i32
    %dma_wait3A_107 = arith.constant 0 : i32
    %dma_wait3A_108 = tpu.memref_slice %arg4[%dma_wait3A_106, %dma_wait3A_107] : memref<819200x768xf32, #tpu.memory_space<hbm>> -> memref<32x768xf32, #tpu.memory_space<hbm>>
    %dma_wait3A_109 = arith.constant 0 : i32
    %dma_wait3A_110 = arith.constant 0 : i32
    %dma_wait3A_111 = tpu.memref_slice %arg4[%dma_wait3A_109, %dma_wait3A_110] : memref<819200x768xf32, #tpu.memory_space<hbm>> -> memref<32x768xf32, #tpu.memory_space<hbm>>
    %dma_wait3A_112 = arith.constant 0 : i32
    %dma_wait3A_113 = arith.constant 0 : i32
    %dma_wait3A_114 = tpu.memref_slice %arg6[%dma_wait3A_101, %dma_wait3A_112, %dma_wait3A_113] : memref<4x32x768xf32, #tpu.memory_space<vmem>> -> memref<1x32x768xf32, #tpu.memory_space<vmem>>
    %dma_wait3A_115 = tpu.memref_squeeze %dma_wait3A_114 : memref<1x32x768xf32, #tpu.memory_space<vmem>> -> memref<32x768xf32, #tpu.memory_space<vmem>>
    tpu.wait_dma2 semaphore(%arg11 : memref<!tpu.dma_semaphore, #tpu.memory_space<semaphore_mem>>) src(%dma_wait3A_115 : memref<32x768xf32, #tpu.memory_space<vmem>>) dst(%dma_wait3A_111 : memref<32x768xf32, #tpu.memory_space<hbm>>)
    %dma_start3A_116 = arith.constant 0 : i32
    %dma_start3A_117 = arith.constant 0 : i32
    %dma_start3A_118 = arith.constant 0 : i32
    %dma_start3A_119 = tpu.memref_slice %arg6[%dma_start3A_116, %dma_start3A_117, %dma_start3A_118] : memref<4x32x768xf32, #tpu.memory_space<vmem>> -> memref<1x32x768xf32, #tpu.memory_space<vmem>>
    %dma_start3A_120 = tpu.memref_squeeze %dma_start3A_119 : memref<1x32x768xf32, #tpu.memory_space<vmem>> -> memref<32x768xf32, #tpu.memory_space<vmem>>
    %dma_start3A_121 = arith.constant 128 : i32
    %dma_start3A_122 = tpu.memref_slice %arg5[%dma_start3A_121] : memref<25600xi32, #tpu.memory_space<vmem>> -> memref<32xi32, #tpu.memory_space<vmem>>
    %dma_start3A_123 = arith.constant 0 : i32
    %dma_start3A_124 = arith.constant 0 : i32
    %dma_start3A_125 = tpu.memref_slice %arg2[%dma_start3A_123, %dma_start3A_124] : memref<32128x768xf32, #tpu.memory_space<hbm>> -> memref<32128x768xf32, #tpu.memory_space<hbm>>
    tpu.enqueue_indirect_dma source(%dma_start3A_125 : memref<32128x768xf32, #tpu.memory_space<hbm>>) target(%dma_start3A_120 : memref<32x768xf32, #tpu.memory_space<vmem>>) offsets(%dma_start3A_122 : memref<32xi32, #tpu.memory_space<vmem>>) semaphore(%arg7 : memref<!tpu.dma_semaphore, #tpu.memory_space<semaphore_mem>>)
    %dma_wait3A_126 = arith.constant 2 : i32
    %dma_wait3A_127 = arith.constant 0 : i32
    %dma_wait3A_128 = arith.constant 0 : i32
    %dma_wait3A_129 = tpu.memref_slice %arg6[%dma_wait3A_126, %dma_wait3A_127, %dma_wait3A_128] : memref<4x32x768xf32, #tpu.memory_space<vmem>> -> memref<1x32x768xf32, #tpu.memory_space<vmem>>
    %dma_wait3A_130 = tpu.memref_squeeze %dma_wait3A_129 : memref<1x32x768xf32, #tpu.memory_space<vmem>> -> memref<32x768xf32, #tpu.memory_space<vmem>>
    %dma_wait3A_131 = arith.constant 0 : i32
    %dma_wait3A_132 = arith.constant 0 : i32
    %dma_wait3A_133 = tpu.memref_slice %arg2[%dma_wait3A_131, %dma_wait3A_132] : memref<32128x768xf32, #tpu.memory_space<hbm>> -> memref<32x768xf32, #tpu.memory_space<hbm>>
    %dma_wait3A_134 = arith.constant 0 : i32
    %dma_wait3A_135 = arith.constant 0 : i32
    %dma_wait3A_136 = tpu.memref_slice %arg6[%dma_wait3A_126, %dma_wait3A_134, %dma_wait3A_135] : memref<4x32x768xf32, #tpu.memory_space<vmem>> -> memref<1x32x768xf32, #tpu.memory_space<vmem>>
    %dma_wait3A_137 = tpu.memref_squeeze %dma_wait3A_136 : memref<1x32x768xf32, #tpu.memory_space<vmem>> -> memref<32x768xf32, #tpu.memory_space<vmem>>
    %dma_wait3A_138 = arith.constant 0 : i32
    %dma_wait3A_139 = arith.constant 0 : i32
    %dma_wait3A_140 = tpu.memref_slice %arg2[%dma_wait3A_138, %dma_wait3A_139] : memref<32128x768xf32, #tpu.memory_space<hbm>> -> memref<32x768xf32, #tpu.memory_space<hbm>>
    tpu.wait_dma2 semaphore(%arg9 : memref<!tpu.dma_semaphore, #tpu.memory_space<semaphore_mem>>) src(%dma_wait3A_140 : memref<32x768xf32, #tpu.memory_space<hbm>>) dst(%dma_wait3A_137 : memref<32x768xf32, #tpu.memory_space<vmem>>)
    %add3A_141 = arith.constant 64 : i32
    %add3A_142 = arith.addi %mul3A_2, %add3A_141 : i32
    %dma_start3A_143 = arith.constant 2 : i32
    %dma_start3A_144 = arith.constant 0 : i32
    %dma_start3A_145 = arith.constant 0 : i32
    %dma_start3A_146 = tpu.memref_slice %arg6[%dma_start3A_143, %dma_start3A_144, %dma_start3A_145] : memref<4x32x768xf32, #tpu.memory_space<vmem>> -> memref<1x32x768xf32, #tpu.memory_space<vmem>>
    %dma_start3A_147 = tpu.memref_squeeze %dma_start3A_146 : memref<1x32x768xf32, #tpu.memory_space<vmem>> -> memref<32x768xf32, #tpu.memory_space<vmem>>
    %dma_start3A_148 = arith.constant 0 : i32
    %dma_start3A_149 = tpu.memref_slice %arg4[%add3A_142, %dma_start3A_148] : memref<819200x768xf32, #tpu.memory_space<hbm>> -> memref<32x768xf32, #tpu.memory_space<hbm>>
    %dma_start3A_150 = arith.constant 0 : i32
    %dma_start3A_151 = tpu.memref_slice %arg4[%add3A_142, %dma_start3A_150] : memref<819200x768xf32, #tpu.memory_space<hbm>> -> memref<32x768xf32, #tpu.memory_space<hbm>>
    %dma_start3A_152 = arith.constant 0 : i32
    %dma_start3A_153 = arith.constant 0 : i32
    %dma_start3A_154 = tpu.memref_slice %arg6[%dma_start3A_143, %dma_start3A_152, %dma_start3A_153] : memref<4x32x768xf32, #tpu.memory_space<vmem>> -> memref<1x32x768xf32, #tpu.memory_space<vmem>>
    %dma_start3A_155 = tpu.memref_squeeze %dma_start3A_154 : memref<1x32x768xf32, #tpu.memory_space<vmem>> -> memref<32x768xf32, #tpu.memory_space<vmem>>
    tpu.enqueue_dma source(%dma_start3A_155 : memref<32x768xf32, #tpu.memory_space<vmem>>) target(%dma_start3A_151 : memref<32x768xf32, #tpu.memory_space<hbm>>) target_semaphore(%arg13 : memref<!tpu.dma_semaphore, #tpu.memory_space<semaphore_mem>>)
    %dma_wait3A_156 = arith.constant 1 : i32
    %dma_wait3A_157 = arith.constant 0 : i32
    %dma_wait3A_158 = arith.constant 0 : i32
    %dma_wait3A_159 = tpu.memref_slice %arg6[%dma_wait3A_156, %dma_wait3A_157, %dma_wait3A_158] : memref<4x32x768xf32, #tpu.memory_space<vmem>> -> memref<1x32x768xf32, #tpu.memory_space<vmem>>
    %dma_wait3A_160 = tpu.memref_squeeze %dma_wait3A_159 : memref<1x32x768xf32, #tpu.memory_space<vmem>> -> memref<32x768xf32, #tpu.memory_space<vmem>>
    %dma_wait3A_161 = arith.constant 0 : i32
    %dma_wait3A_162 = arith.constant 0 : i32
    %dma_wait3A_163 = tpu.memref_slice %arg4[%dma_wait3A_161, %dma_wait3A_162] : memref<819200x768xf32, #tpu.memory_space<hbm>> -> memref<32x768xf32, #tpu.memory_space<hbm>>
    %dma_wait3A_164 = arith.constant 0 : i32
    %dma_wait3A_165 = arith.constant 0 : i32
    %dma_wait3A_166 = tpu.memref_slice %arg4[%dma_wait3A_164, %dma_wait3A_165] : memref<819200x768xf32, #tpu.memory_space<hbm>> -> memref<32x768xf32, #tpu.memory_space<hbm>>
    %dma_wait3A_167 = arith.constant 0 : i32
    %dma_wait3A_168 = arith.constant 0 : i32
    %dma_wait3A_169 = tpu.memref_slice %arg6[%dma_wait3A_156, %dma_wait3A_167, %dma_wait3A_168] : memref<4x32x768xf32, #tpu.memory_space<vmem>> -> memref<1x32x768xf32, #tpu.memory_space<vmem>>
    %dma_wait3A_170 = tpu.memref_squeeze %dma_wait3A_169 : memref<1x32x768xf32, #tpu.memory_space<vmem>> -> memref<32x768xf32, #tpu.memory_space<vmem>>
    tpu.wait_dma2 semaphore(%arg12 : memref<!tpu.dma_semaphore, #tpu.memory_space<semaphore_mem>>) src(%dma_wait3A_170 : memref<32x768xf32, #tpu.memory_space<vmem>>) dst(%dma_wait3A_166 : memref<32x768xf32, #tpu.memory_space<hbm>>)
    %dma_start3A_171 = arith.constant 1 : i32
    %dma_start3A_172 = arith.constant 0 : i32
    %dma_start3A_173 = arith.constant 0 : i32
    %dma_start3A_174 = tpu.memref_slice %arg6[%dma_start3A_171, %dma_start3A_172, %dma_start3A_173] : memref<4x32x768xf32, #tpu.memory_space<vmem>> -> memref<1x32x768xf32, #tpu.memory_space<vmem>>
    %dma_start3A_175 = tpu.memref_squeeze %dma_start3A_174 : memref<1x32x768xf32, #tpu.memory_space<vmem>> -> memref<32x768xf32, #tpu.memory_space<vmem>>
    %dma_start3A_176 = arith.constant 160 : i32
    %dma_start3A_177 = tpu.memref_slice %arg5[%dma_start3A_176] : memref<25600xi32, #tpu.memory_space<vmem>> -> memref<32xi32, #tpu.memory_space<vmem>>
    %dma_start3A_178 = arith.constant 0 : i32
    %dma_start3A_179 = arith.constant 0 : i32
    %dma_start3A_180 = tpu.memref_slice %arg2[%dma_start3A_178, %dma_start3A_179] : memref<32128x768xf32, #tpu.memory_space<hbm>> -> memref<32128x768xf32, #tpu.memory_space<hbm>>
    tpu.enqueue_indirect_dma source(%dma_start3A_180 : memref<32128x768xf32, #tpu.memory_space<hbm>>) target(%dma_start3A_175 : memref<32x768xf32, #tpu.memory_space<vmem>>) offsets(%dma_start3A_177 : memref<32xi32, #tpu.memory_space<vmem>>) semaphore(%arg8 : memref<!tpu.dma_semaphore, #tpu.memory_space<semaphore_mem>>)
    %dma_wait3A_181 = arith.constant 3 : i32
    %dma_wait3A_182 = arith.constant 0 : i32
    %dma_wait3A_183 = arith.constant 0 : i32
    %dma_wait3A_184 = tpu.memref_slice %arg6[%dma_wait3A_181, %dma_wait3A_182, %dma_wait3A_183] : memref<4x32x768xf32, #tpu.memory_space<vmem>> -> memref<1x32x768xf32, #tpu.memory_space<vmem>>
    %dma_wait3A_185 = tpu.memref_squeeze %dma_wait3A_184 : memref<1x32x768xf32, #tpu.memory_space<vmem>> -> memref<32x768xf32, #tpu.memory_space<vmem>>
    %dma_wait3A_186 = arith.constant 0 : i32
    %dma_wait3A_187 = arith.constant 0 : i32
    %dma_wait3A_188 = tpu.memref_slice %arg2[%dma_wait3A_186, %dma_wait3A_187] : memref<32128x768xf32, #tpu.memory_space<hbm>> -> memref<32x768xf32, #tpu.memory_space<hbm>>
    %dma_wait3A_189 = arith.constant 0 : i32
    %dma_wait3A_190 = arith.constant 0 : i32
    %dma_wait3A_191 = tpu.memref_slice %arg6[%dma_wait3A_181, %dma_wait3A_189, %dma_wait3A_190] : memref<4x32x768xf32, #tpu.memory_space<vmem>> -> memref<1x32x768xf32, #tpu.memory_space<vmem>>
    %dma_wait3A_192 = tpu.memref_squeeze %dma_wait3A_191 : memref<1x32x768xf32, #tpu.memory_space<vmem>> -> memref<32x768xf32, #tpu.memory_space<vmem>>
    %dma_wait3A_193 = arith.constant 0 : i32
    %dma_wait3A_194 = arith.constant 0 : i32
    %dma_wait3A_195 = tpu.memref_slice %arg2[%dma_wait3A_193, %dma_wait3A_194] : memref<32128x768xf32, #tpu.memory_space<hbm>> -> memref<32x768xf32, #tpu.memory_space<hbm>>
    tpu.wait_dma2 semaphore(%arg10 : memref<!tpu.dma_semaphore, #tpu.memory_space<semaphore_mem>>) src(%dma_wait3A_195 : memref<32x768xf32, #tpu.memory_space<hbm>>) dst(%dma_wait3A_192 : memref<32x768xf32, #tpu.memory_space<vmem>>)
    %add3A_196 = arith.constant 96 : i32
    %add3A_197 = arith.addi %mul3A_2, %add3A_196 : i32
    %dma_start3A_198 = arith.constant 3 : i32
    %dma_start3A_199 = arith.constant 0 : i32
    %dma_start3A_200 = arith.constant 0 : i32
    %dma_start3A_201 = tpu.memref_slice %arg6[%dma_start3A_198, %dma_start3A_199, %dma_start3A_200] : memref<4x32x768xf32, #tpu.memory_space<vmem>> -> memref<1x32x768xf32, #tpu.memory_space<vmem>>
    %dma_start3A_202 = tpu.memref_squeeze %dma_start3A_201 : memref<1x32x768xf32, #tpu.memory_space<vmem>> -> memref<32x768xf32, #tpu.memory_space<vmem>>
    %dma_start3A_203 = arith.constant 0 : i32
    %dma_start3A_204 = tpu.memref_slice %arg4[%add3A_197, %dma_start3A_203] : memref<819200x768xf32, #tpu.memory_space<hbm>> -> memref<32x768xf32, #tpu.memory_space<hbm>>
    %dma_start3A_205 = arith.constant 0 : i32
    %dma_start3A_206 = tpu.memref_slice %arg4[%add3A_197, %dma_start3A_205] : memref<819200x768xf32, #tpu.memory_space<hbm>> -> memref<32x768xf32, #tpu.memory_space<hbm>>
    %dma_start3A_207 = arith.constant 0 : i32
    %dma_start3A_208 = arith.constant 0 : i32
    %dma_start3A_209 = tpu.memref_slice %arg6[%dma_start3A_198, %dma_start3A_207, %dma_start3A_208] : memref<4x32x768xf32, #tpu.memory_space<vmem>> -> memref<1x32x768xf32, #tpu.memory_space<vmem>>
    %dma_start3A_210 = tpu.memref_squeeze %dma_start3A_209 : memref<1x32x768xf32, #tpu.memory_space<vmem>> -> memref<32x768xf32, #tpu.memory_space<vmem>>
    tpu.enqueue_dma source(%dma_start3A_210 : memref<32x768xf32, #tpu.memory_space<vmem>>) target(%dma_start3A_206 : memref<32x768xf32, #tpu.memory_space<hbm>>) target_semaphore(%arg14 : memref<!tpu.dma_semaphore, #tpu.memory_space<semaphore_mem>>)
    %dma_wait3A_211 = arith.constant 2 : i32
    %dma_wait3A_212 = arith.constant 0 : i32
    %dma_wait3A_213 = arith.constant 0 : i32
    %dma_wait3A_214 = tpu.memref_slice %arg6[%dma_wait3A_211, %dma_wait3A_212, %dma_wait3A_213] : memref<4x32x768xf32, #tpu.memory_space<vmem>> -> memref<1x32x768xf32, #tpu.memory_space<vmem>>
    %dma_wait3A_215 = tpu.memref_squeeze %dma_wait3A_214 : memref<1x32x768xf32, #tpu.memory_space<vmem>> -> memref<32x768xf32, #tpu.memory_space<vmem>>
    %dma_wait3A_216 = arith.constant 0 : i32
    %dma_wait3A_217 = arith.constant 0 : i32
    %dma_wait3A_218 = tpu.memref_slice %arg4[%dma_wait3A_216, %dma_wait3A_217] : memref<819200x768xf32, #tpu.memory_space<hbm>> -> memref<32x768xf32, #tpu.memory_space<hbm>>
    %dma_wait3A_219 = arith.constant 0 : i32
    %dma_wait3A_220 = arith.constant 0 : i32
    %dma_wait3A_221 = tpu.memref_slice %arg4[%dma_wait3A_219, %dma_wait3A_220] : memref<819200x768xf32, #tpu.memory_space<hbm>> -> memref<32x768xf32, #tpu.memory_space<hbm>>
    %dma_wait3A_222 = arith.constant 0 : i32
    %dma_wait3A_223 = arith.constant 0 : i32
    %dma_wait3A_224 = tpu.memref_slice %arg6[%dma_wait3A_211, %dma_wait3A_222, %dma_wait3A_223] : memref<4x32x768xf32, #tpu.memory_space<vmem>> -> memref<1x32x768xf32, #tpu.memory_space<vmem>>
    %dma_wait3A_225 = tpu.memref_squeeze %dma_wait3A_224 : memref<1x32x768xf32, #tpu.memory_space<vmem>> -> memref<32x768xf32, #tpu.memory_space<vmem>>
    tpu.wait_dma2 semaphore(%arg13 : memref<!tpu.dma_semaphore, #tpu.memory_space<semaphore_mem>>) src(%dma_wait3A_225 : memref<32x768xf32, #tpu.memory_space<vmem>>) dst(%dma_wait3A_221 : memref<32x768xf32, #tpu.memory_space<hbm>>)
    %dma_start3A_226 = arith.constant 2 : i32
    %dma_start3A_227 = arith.constant 0 : i32
    %dma_start3A_228 = arith.constant 0 : i32
    %dma_start3A_229 = tpu.memref_slice %arg6[%dma_start3A_226, %dma_start3A_227, %dma_start3A_228] : memref<4x32x768xf32, #tpu.memory_space<vmem>> -> memref<1x32x768xf32, #tpu.memory_space<vmem>>
    %dma_start3A_230 = tpu.memref_squeeze %dma_start3A_229 : memref<1x32x768xf32, #tpu.memory_space<vmem>> -> memref<32x768xf32, #tpu.memory_space<vmem>>
    %dma_start3A_231 = arith.constant 192 : i32
    %dma_start3A_232 = tpu.memref_slice %arg5[%dma_start3A_231] : memref<25600xi32, #tpu.memory_space<vmem>> -> memref<32xi32, #tpu.memory_space<vmem>>
    %dma_start3A_233 = arith.constant 0 : i32
    %dma_start3A_234 = arith.constant 0 : i32
    %dma_start3A_235 = tpu.memref_slice %arg2[%dma_start3A_233, %dma_start3A_234] : memref<32128x768xf32, #tpu.memory_space<hbm>> -> memref<32128x768xf32, #tpu.memory_space<hbm>>
    tpu.enqueue_indirect_dma source(%dma_start3A_235 : memref<32128x768xf32, #tpu.memory_space<hbm>>) target(%dma_start3A_230 : memref<32x768xf32, #tpu.memory_space<vmem>>) offsets(%dma_start3A_232 : memref<32xi32, #tpu.memory_space<vmem>>) semaphore(%arg9 : memref<!tpu.dma_semaphore, #tpu.memory_space<semaphore_mem>>)
    %scan3A = arith.constant 0 : i32
    %scan3A_236 = arith.constant 1 : i32
    %scan3A_237 = arith.constant 198 : i32
    %scan3A_238 = arith.addi %scan3A_236, %scan3A_237 : i32
    %scan3A_239 = arith.constant 1 : i32
    scf.for %scan3A_446 = %scan3A_236 to %scan3A_238 step %scan3A_239  : i32 {
      %mul3A_447 = arith.constant 4 : i32
      %mul3A_448 = arith.muli %scan3A_446, %mul3A_447 : i32
      %add3A_449 = arith.constant 0 : i32
      %add3A_450 = arith.addi %mul3A_448, %add3A_449 : i32
      %dma_wait3A_451 = arith.constant 0 : i32
      %dma_wait3A_452 = arith.constant 0 : i32
      %dma_wait3A_453 = arith.constant 0 : i32
      %dma_wait3A_454 = tpu.memref_slice %arg6[%dma_wait3A_451, %dma_wait3A_452, %dma_wait3A_453] : memref<4x32x768xf32, #tpu.memory_space<vmem>> -> memref<1x32x768xf32, #tpu.memory_space<vmem>>
      %dma_wait3A_455 = tpu.memref_squeeze %dma_wait3A_454 : memref<1x32x768xf32, #tpu.memory_space<vmem>> -> memref<32x768xf32, #tpu.memory_space<vmem>>
      %dma_wait3A_456 = arith.constant 0 : i32
      %dma_wait3A_457 = arith.constant 0 : i32
      %dma_wait3A_458 = tpu.memref_slice %arg2[%dma_wait3A_456, %dma_wait3A_457] : memref<32128x768xf32, #tpu.memory_space<hbm>> -> memref<32x768xf32, #tpu.memory_space<hbm>>
      %dma_wait3A_459 = arith.constant 0 : i32
      %dma_wait3A_460 = arith.constant 0 : i32
      %dma_wait3A_461 = tpu.memref_slice %arg6[%dma_wait3A_451, %dma_wait3A_459, %dma_wait3A_460] : memref<4x32x768xf32, #tpu.memory_space<vmem>> -> memref<1x32x768xf32, #tpu.memory_space<vmem>>
      %dma_wait3A_462 = tpu.memref_squeeze %dma_wait3A_461 : memref<1x32x768xf32, #tpu.memory_space<vmem>> -> memref<32x768xf32, #tpu.memory_space<vmem>>
      %dma_wait3A_463 = arith.constant 0 : i32
      %dma_wait3A_464 = arith.constant 0 : i32
      %dma_wait3A_465 = tpu.memref_slice %arg2[%dma_wait3A_463, %dma_wait3A_464] : memref<32128x768xf32, #tpu.memory_space<hbm>> -> memref<32x768xf32, #tpu.memory_space<hbm>>
      tpu.wait_dma2 semaphore(%arg7 : memref<!tpu.dma_semaphore, #tpu.memory_space<semaphore_mem>>) src(%dma_wait3A_465 : memref<32x768xf32, #tpu.memory_space<hbm>>) dst(%dma_wait3A_462 : memref<32x768xf32, #tpu.memory_space<vmem>>)
      %mul3A_466 = arith.constant 32 : i32
      %mul3A_467 = arith.muli %add3A_450, %mul3A_466 : i32
      %add3A_468 = arith.addi %mul3A_2, %mul3A_467 : i32
      %dma_start3A_469 = arith.constant 0 : i32
      %dma_start3A_470 = arith.constant 0 : i32
      %dma_start3A_471 = arith.constant 0 : i32
      %dma_start3A_472 = tpu.memref_slice %arg6[%dma_start3A_469, %dma_start3A_470, %dma_start3A_471] : memref<4x32x768xf32, #tpu.memory_space<vmem>> -> memref<1x32x768xf32, #tpu.memory_space<vmem>>
      %dma_start3A_473 = tpu.memref_squeeze %dma_start3A_472 : memref<1x32x768xf32, #tpu.memory_space<vmem>> -> memref<32x768xf32, #tpu.memory_space<vmem>>
      %dma_start3A_474 = arith.constant 0 : i32
      %dma_start3A_475 = tpu.memref_slice %arg4[%add3A_468, %dma_start3A_474] : memref<819200x768xf32, #tpu.memory_space<hbm>> -> memref<32x768xf32, #tpu.memory_space<hbm>>
      %dma_start3A_476 = arith.constant 0 : i32
      %dma_start3A_477 = tpu.memref_slice %arg4[%add3A_468, %dma_start3A_476] : memref<819200x768xf32, #tpu.memory_space<hbm>> -> memref<32x768xf32, #tpu.memory_space<hbm>>
      %dma_start3A_478 = arith.constant 0 : i32
      %dma_start3A_479 = arith.constant 0 : i32
      %dma_start3A_480 = tpu.memref_slice %arg6[%dma_start3A_469, %dma_start3A_478, %dma_start3A_479] : memref<4x32x768xf32, #tpu.memory_space<vmem>> -> memref<1x32x768xf32, #tpu.memory_space<vmem>>
      %dma_start3A_481 = tpu.memref_squeeze %dma_start3A_480 : memref<1x32x768xf32, #tpu.memory_space<vmem>> -> memref<32x768xf32, #tpu.memory_space<vmem>>
      tpu.enqueue_dma source(%dma_start3A_481 : memref<32x768xf32, #tpu.memory_space<vmem>>) target(%dma_start3A_477 : memref<32x768xf32, #tpu.memory_space<hbm>>) target_semaphore(%arg11 : memref<!tpu.dma_semaphore, #tpu.memory_space<semaphore_mem>>)
      %add3A_482 = arith.constant 3 : i32
      %add3A_483 = arith.addi %add3A_450, %add3A_482 : i32
      %dma_wait3A_484 = arith.constant 3 : i32
      %dma_wait3A_485 = arith.constant 0 : i32
      %dma_wait3A_486 = arith.constant 0 : i32
      %dma_wait3A_487 = tpu.memref_slice %arg6[%dma_wait3A_484, %dma_wait3A_485, %dma_wait3A_486] : memref<4x32x768xf32, #tpu.memory_space<vmem>> -> memref<1x32x768xf32, #tpu.memory_space<vmem>>
      %dma_wait3A_488 = tpu.memref_squeeze %dma_wait3A_487 : memref<1x32x768xf32, #tpu.memory_space<vmem>> -> memref<32x768xf32, #tpu.memory_space<vmem>>
      %dma_wait3A_489 = arith.constant 0 : i32
      %dma_wait3A_490 = arith.constant 0 : i32
      %dma_wait3A_491 = tpu.memref_slice %arg4[%dma_wait3A_489, %dma_wait3A_490] : memref<819200x768xf32, #tpu.memory_space<hbm>> -> memref<32x768xf32, #tpu.memory_space<hbm>>
      %dma_wait3A_492 = arith.constant 0 : i32
      %dma_wait3A_493 = arith.constant 0 : i32
      %dma_wait3A_494 = tpu.memref_slice %arg4[%dma_wait3A_492, %dma_wait3A_493] : memref<819200x768xf32, #tpu.memory_space<hbm>> -> memref<32x768xf32, #tpu.memory_space<hbm>>
      %dma_wait3A_495 = arith.constant 0 : i32
      %dma_wait3A_496 = arith.constant 0 : i32
      %dma_wait3A_497 = tpu.memref_slice %arg6[%dma_wait3A_484, %dma_wait3A_495, %dma_wait3A_496] : memref<4x32x768xf32, #tpu.memory_space<vmem>> -> memref<1x32x768xf32, #tpu.memory_space<vmem>>
      %dma_wait3A_498 = tpu.memref_squeeze %dma_wait3A_497 : memref<1x32x768xf32, #tpu.memory_space<vmem>> -> memref<32x768xf32, #tpu.memory_space<vmem>>
      tpu.wait_dma2 semaphore(%arg14 : memref<!tpu.dma_semaphore, #tpu.memory_space<semaphore_mem>>) src(%dma_wait3A_498 : memref<32x768xf32, #tpu.memory_space<vmem>>) dst(%dma_wait3A_494 : memref<32x768xf32, #tpu.memory_space<hbm>>)
      %mul3A_499 = arith.constant 32 : i32
      %mul3A_500 = arith.muli %add3A_483, %mul3A_499 : i32
      %dma_start3A_501 = arith.constant 3 : i32
      %dma_start3A_502 = arith.constant 0 : i32
      %dma_start3A_503 = arith.constant 0 : i32
      %dma_start3A_504 = tpu.memref_slice %arg6[%dma_start3A_501, %dma_start3A_502, %dma_start3A_503] : memref<4x32x768xf32, #tpu.memory_space<vmem>> -> memref<1x32x768xf32, #tpu.memory_space<vmem>>
      %dma_start3A_505 = tpu.memref_squeeze %dma_start3A_504 : memref<1x32x768xf32, #tpu.memory_space<vmem>> -> memref<32x768xf32, #tpu.memory_space<vmem>>
      %dma_start3A_506 = tpu.memref_slice %arg5[%mul3A_500] : memref<25600xi32, #tpu.memory_space<vmem>> -> memref<32xi32, #tpu.memory_space<vmem>>
      %dma_start3A_507 = arith.constant 0 : i32
      %dma_start3A_508 = arith.constant 0 : i32
      %dma_start3A_509 = tpu.memref_slice %arg2[%dma_start3A_507, %dma_start3A_508] : memref<32128x768xf32, #tpu.memory_space<hbm>> -> memref<32128x768xf32, #tpu.memory_space<hbm>>
      tpu.enqueue_indirect_dma source(%dma_start3A_509 : memref<32128x768xf32, #tpu.memory_space<hbm>>) target(%dma_start3A_505 : memref<32x768xf32, #tpu.memory_space<vmem>>) offsets(%dma_start3A_506 : memref<32xi32, #tpu.memory_space<vmem>>) semaphore(%arg10 : memref<!tpu.dma_semaphore, #tpu.memory_space<semaphore_mem>>)
      %mul3A_510 = arith.constant 4 : i32
      %mul3A_511 = arith.muli %scan3A_446, %mul3A_510 : i32
      %add3A_512 = arith.constant 1 : i32
      %add3A_513 = arith.addi %mul3A_511, %add3A_512 : i32
      %dma_wait3A_514 = arith.constant 1 : i32
      %dma_wait3A_515 = arith.constant 0 : i32
      %dma_wait3A_516 = arith.constant 0 : i32
      %dma_wait3A_517 = tpu.memref_slice %arg6[%dma_wait3A_514, %dma_wait3A_515, %dma_wait3A_516] : memref<4x32x768xf32, #tpu.memory_space<vmem>> -> memref<1x32x768xf32, #tpu.memory_space<vmem>>
      %dma_wait3A_518 = tpu.memref_squeeze %dma_wait3A_517 : memref<1x32x768xf32, #tpu.memory_space<vmem>> -> memref<32x768xf32, #tpu.memory_space<vmem>>
      %dma_wait3A_519 = arith.constant 0 : i32
      %dma_wait3A_520 = arith.constant 0 : i32
      %dma_wait3A_521 = tpu.memref_slice %arg2[%dma_wait3A_519, %dma_wait3A_520] : memref<32128x768xf32, #tpu.memory_space<hbm>> -> memref<32x768xf32, #tpu.memory_space<hbm>>
      %dma_wait3A_522 = arith.constant 0 : i32
      %dma_wait3A_523 = arith.constant 0 : i32
      %dma_wait3A_524 = tpu.memref_slice %arg6[%dma_wait3A_514, %dma_wait3A_522, %dma_wait3A_523] : memref<4x32x768xf32, #tpu.memory_space<vmem>> -> memref<1x32x768xf32, #tpu.memory_space<vmem>>
      %dma_wait3A_525 = tpu.memref_squeeze %dma_wait3A_524 : memref<1x32x768xf32, #tpu.memory_space<vmem>> -> memref<32x768xf32, #tpu.memory_space<vmem>>
      %dma_wait3A_526 = arith.constant 0 : i32
      %dma_wait3A_527 = arith.constant 0 : i32
      %dma_wait3A_528 = tpu.memref_slice %arg2[%dma_wait3A_526, %dma_wait3A_527] : memref<32128x768xf32, #tpu.memory_space<hbm>> -> memref<32x768xf32, #tpu.memory_space<hbm>>
      tpu.wait_dma2 semaphore(%arg8 : memref<!tpu.dma_semaphore, #tpu.memory_space<semaphore_mem>>) src(%dma_wait3A_528 : memref<32x768xf32, #tpu.memory_space<hbm>>) dst(%dma_wait3A_525 : memref<32x768xf32, #tpu.memory_space<vmem>>)
      %mul3A_529 = arith.constant 32 : i32
      %mul3A_530 = arith.muli %add3A_513, %mul3A_529 : i32
      %add3A_531 = arith.addi %mul3A_2, %mul3A_530 : i32
      %dma_start3A_532 = arith.constant 1 : i32
      %dma_start3A_533 = arith.constant 0 : i32
      %dma_start3A_534 = arith.constant 0 : i32
      %dma_start3A_535 = tpu.memref_slice %arg6[%dma_start3A_532, %dma_start3A_533, %dma_start3A_534] : memref<4x32x768xf32, #tpu.memory_space<vmem>> -> memref<1x32x768xf32, #tpu.memory_space<vmem>>
      %dma_start3A_536 = tpu.memref_squeeze %dma_start3A_535 : memref<1x32x768xf32, #tpu.memory_space<vmem>> -> memref<32x768xf32, #tpu.memory_space<vmem>>
      %dma_start3A_537 = arith.constant 0 : i32
      %dma_start3A_538 = tpu.memref_slice %arg4[%add3A_531, %dma_start3A_537] : memref<819200x768xf32, #tpu.memory_space<hbm>> -> memref<32x768xf32, #tpu.memory_space<hbm>>
      %dma_start3A_539 = arith.constant 0 : i32
      %dma_start3A_540 = tpu.memref_slice %arg4[%add3A_531, %dma_start3A_539] : memref<819200x768xf32, #tpu.memory_space<hbm>> -> memref<32x768xf32, #tpu.memory_space<hbm>>
      %dma_start3A_541 = arith.constant 0 : i32
      %dma_start3A_542 = arith.constant 0 : i32
      %dma_start3A_543 = tpu.memref_slice %arg6[%dma_start3A_532, %dma_start3A_541, %dma_start3A_542] : memref<4x32x768xf32, #tpu.memory_space<vmem>> -> memref<1x32x768xf32, #tpu.memory_space<vmem>>
      %dma_start3A_544 = tpu.memref_squeeze %dma_start3A_543 : memref<1x32x768xf32, #tpu.memory_space<vmem>> -> memref<32x768xf32, #tpu.memory_space<vmem>>
      tpu.enqueue_dma source(%dma_start3A_544 : memref<32x768xf32, #tpu.memory_space<vmem>>) target(%dma_start3A_540 : memref<32x768xf32, #tpu.memory_space<hbm>>) target_semaphore(%arg12 : memref<!tpu.dma_semaphore, #tpu.memory_space<semaphore_mem>>)
      %add3A_545 = arith.constant 3 : i32
      %add3A_546 = arith.addi %add3A_513, %add3A_545 : i32
      %dma_wait3A_547 = arith.constant 0 : i32
      %dma_wait3A_548 = arith.constant 0 : i32
      %dma_wait3A_549 = arith.constant 0 : i32
      %dma_wait3A_550 = tpu.memref_slice %arg6[%dma_wait3A_547, %dma_wait3A_548, %dma_wait3A_549] : memref<4x32x768xf32, #tpu.memory_space<vmem>> -> memref<1x32x768xf32, #tpu.memory_space<vmem>>
      %dma_wait3A_551 = tpu.memref_squeeze %dma_wait3A_550 : memref<1x32x768xf32, #tpu.memory_space<vmem>> -> memref<32x768xf32, #tpu.memory_space<vmem>>
      %dma_wait3A_552 = arith.constant 0 : i32
      %dma_wait3A_553 = arith.constant 0 : i32
      %dma_wait3A_554 = tpu.memref_slice %arg4[%dma_wait3A_552, %dma_wait3A_553] : memref<819200x768xf32, #tpu.memory_space<hbm>> -> memref<32x768xf32, #tpu.memory_space<hbm>>
      %dma_wait3A_555 = arith.constant 0 : i32
      %dma_wait3A_556 = arith.constant 0 : i32
      %dma_wait3A_557 = tpu.memref_slice %arg4[%dma_wait3A_555, %dma_wait3A_556] : memref<819200x768xf32, #tpu.memory_space<hbm>> -> memref<32x768xf32, #tpu.memory_space<hbm>>
      %dma_wait3A_558 = arith.constant 0 : i32
      %dma_wait3A_559 = arith.constant 0 : i32
      %dma_wait3A_560 = tpu.memref_slice %arg6[%dma_wait3A_547, %dma_wait3A_558, %dma_wait3A_559] : memref<4x32x768xf32, #tpu.memory_space<vmem>> -> memref<1x32x768xf32, #tpu.memory_space<vmem>>
      %dma_wait3A_561 = tpu.memref_squeeze %dma_wait3A_560 : memref<1x32x768xf32, #tpu.memory_space<vmem>> -> memref<32x768xf32, #tpu.memory_space<vmem>>
      tpu.wait_dma2 semaphore(%arg11 : memref<!tpu.dma_semaphore, #tpu.memory_space<semaphore_mem>>) src(%dma_wait3A_561 : memref<32x768xf32, #tpu.memory_space<vmem>>) dst(%dma_wait3A_557 : memref<32x768xf32, #tpu.memory_space<hbm>>)
      %mul3A_562 = arith.constant 32 : i32
      %mul3A_563 = arith.muli %add3A_546, %mul3A_562 : i32
      %dma_start3A_564 = arith.constant 0 : i32
      %dma_start3A_565 = arith.constant 0 : i32
      %dma_start3A_566 = arith.constant 0 : i32
      %dma_start3A_567 = tpu.memref_slice %arg6[%dma_start3A_564, %dma_start3A_565, %dma_start3A_566] : memref<4x32x768xf32, #tpu.memory_space<vmem>> -> memref<1x32x768xf32, #tpu.memory_space<vmem>>
      %dma_start3A_568 = tpu.memref_squeeze %dma_start3A_567 : memref<1x32x768xf32, #tpu.memory_space<vmem>> -> memref<32x768xf32, #tpu.memory_space<vmem>>
      %dma_start3A_569 = tpu.memref_slice %arg5[%mul3A_563] : memref<25600xi32, #tpu.memory_space<vmem>> -> memref<32xi32, #tpu.memory_space<vmem>>
      %dma_start3A_570 = arith.constant 0 : i32
      %dma_start3A_571 = arith.constant 0 : i32
      %dma_start3A_572 = tpu.memref_slice %arg2[%dma_start3A_570, %dma_start3A_571] : memref<32128x768xf32, #tpu.memory_space<hbm>> -> memref<32128x768xf32, #tpu.memory_space<hbm>>
      tpu.enqueue_indirect_dma source(%dma_start3A_572 : memref<32128x768xf32, #tpu.memory_space<hbm>>) target(%dma_start3A_568 : memref<32x768xf32, #tpu.memory_space<vmem>>) offsets(%dma_start3A_569 : memref<32xi32, #tpu.memory_space<vmem>>) semaphore(%arg7 : memref<!tpu.dma_semaphore, #tpu.memory_space<semaphore_mem>>)
      %mul3A_573 = arith.constant 4 : i32
      %mul3A_574 = arith.muli %scan3A_446, %mul3A_573 : i32
      %add3A_575 = arith.constant 2 : i32
      %add3A_576 = arith.addi %mul3A_574, %add3A_575 : i32
      %dma_wait3A_577 = arith.constant 2 : i32
      %dma_wait3A_578 = arith.constant 0 : i32
      %dma_wait3A_579 = arith.constant 0 : i32
      %dma_wait3A_580 = tpu.memref_slice %arg6[%dma_wait3A_577, %dma_wait3A_578, %dma_wait3A_579] : memref<4x32x768xf32, #tpu.memory_space<vmem>> -> memref<1x32x768xf32, #tpu.memory_space<vmem>>
      %dma_wait3A_581 = tpu.memref_squeeze %dma_wait3A_580 : memref<1x32x768xf32, #tpu.memory_space<vmem>> -> memref<32x768xf32, #tpu.memory_space<vmem>>
      %dma_wait3A_582 = arith.constant 0 : i32
      %dma_wait3A_583 = arith.constant 0 : i32
      %dma_wait3A_584 = tpu.memref_slice %arg2[%dma_wait3A_582, %dma_wait3A_583] : memref<32128x768xf32, #tpu.memory_space<hbm>> -> memref<32x768xf32, #tpu.memory_space<hbm>>
      %dma_wait3A_585 = arith.constant 0 : i32
      %dma_wait3A_586 = arith.constant 0 : i32
      %dma_wait3A_587 = tpu.memref_slice %arg6[%dma_wait3A_577, %dma_wait3A_585, %dma_wait3A_586] : memref<4x32x768xf32, #tpu.memory_space<vmem>> -> memref<1x32x768xf32, #tpu.memory_space<vmem>>
      %dma_wait3A_588 = tpu.memref_squeeze %dma_wait3A_587 : memref<1x32x768xf32, #tpu.memory_space<vmem>> -> memref<32x768xf32, #tpu.memory_space<vmem>>
      %dma_wait3A_589 = arith.constant 0 : i32
      %dma_wait3A_590 = arith.constant 0 : i32
      %dma_wait3A_591 = tpu.memref_slice %arg2[%dma_wait3A_589, %dma_wait3A_590] : memref<32128x768xf32, #tpu.memory_space<hbm>> -> memref<32x768xf32, #tpu.memory_space<hbm>>
      tpu.wait_dma2 semaphore(%arg9 : memref<!tpu.dma_semaphore, #tpu.memory_space<semaphore_mem>>) src(%dma_wait3A_591 : memref<32x768xf32, #tpu.memory_space<hbm>>) dst(%dma_wait3A_588 : memref<32x768xf32, #tpu.memory_space<vmem>>)
      %mul3A_592 = arith.constant 32 : i32
      %mul3A_593 = arith.muli %add3A_576, %mul3A_592 : i32
      %add3A_594 = arith.addi %mul3A_2, %mul3A_593 : i32
      %dma_start3A_595 = arith.constant 2 : i32
      %dma_start3A_596 = arith.constant 0 : i32
      %dma_start3A_597 = arith.constant 0 : i32
      %dma_start3A_598 = tpu.memref_slice %arg6[%dma_start3A_595, %dma_start3A_596, %dma_start3A_597] : memref<4x32x768xf32, #tpu.memory_space<vmem>> -> memref<1x32x768xf32, #tpu.memory_space<vmem>>
      %dma_start3A_599 = tpu.memref_squeeze %dma_start3A_598 : memref<1x32x768xf32, #tpu.memory_space<vmem>> -> memref<32x768xf32, #tpu.memory_space<vmem>>
      %dma_start3A_600 = arith.constant 0 : i32
      %dma_start3A_601 = tpu.memref_slice %arg4[%add3A_594, %dma_start3A_600] : memref<819200x768xf32, #tpu.memory_space<hbm>> -> memref<32x768xf32, #tpu.memory_space<hbm>>
      %dma_start3A_602 = arith.constant 0 : i32
      %dma_start3A_603 = tpu.memref_slice %arg4[%add3A_594, %dma_start3A_602] : memref<819200x768xf32, #tpu.memory_space<hbm>> -> memref<32x768xf32, #tpu.memory_space<hbm>>
      %dma_start3A_604 = arith.constant 0 : i32
      %dma_start3A_605 = arith.constant 0 : i32
      %dma_start3A_606 = tpu.memref_slice %arg6[%dma_start3A_595, %dma_start3A_604, %dma_start3A_605] : memref<4x32x768xf32, #tpu.memory_space<vmem>> -> memref<1x32x768xf32, #tpu.memory_space<vmem>>
      %dma_start3A_607 = tpu.memref_squeeze %dma_start3A_606 : memref<1x32x768xf32, #tpu.memory_space<vmem>> -> memref<32x768xf32, #tpu.memory_space<vmem>>
      tpu.enqueue_dma source(%dma_start3A_607 : memref<32x768xf32, #tpu.memory_space<vmem>>) target(%dma_start3A_603 : memref<32x768xf32, #tpu.memory_space<hbm>>) target_semaphore(%arg13 : memref<!tpu.dma_semaphore, #tpu.memory_space<semaphore_mem>>)
      %add3A_608 = arith.constant 3 : i32
      %add3A_609 = arith.addi %add3A_576, %add3A_608 : i32
      %dma_wait3A_610 = arith.constant 1 : i32
      %dma_wait3A_611 = arith.constant 0 : i32
      %dma_wait3A_612 = arith.constant 0 : i32
      %dma_wait3A_613 = tpu.memref_slice %arg6[%dma_wait3A_610, %dma_wait3A_611, %dma_wait3A_612] : memref<4x32x768xf32, #tpu.memory_space<vmem>> -> memref<1x32x768xf32, #tpu.memory_space<vmem>>
      %dma_wait3A_614 = tpu.memref_squeeze %dma_wait3A_613 : memref<1x32x768xf32, #tpu.memory_space<vmem>> -> memref<32x768xf32, #tpu.memory_space<vmem>>
      %dma_wait3A_615 = arith.constant 0 : i32
      %dma_wait3A_616 = arith.constant 0 : i32
      %dma_wait3A_617 = tpu.memref_slice %arg4[%dma_wait3A_615, %dma_wait3A_616] : memref<819200x768xf32, #tpu.memory_space<hbm>> -> memref<32x768xf32, #tpu.memory_space<hbm>>
      %dma_wait3A_618 = arith.constant 0 : i32
      %dma_wait3A_619 = arith.constant 0 : i32
      %dma_wait3A_620 = tpu.memref_slice %arg4[%dma_wait3A_618, %dma_wait3A_619] : memref<819200x768xf32, #tpu.memory_space<hbm>> -> memref<32x768xf32, #tpu.memory_space<hbm>>
      %dma_wait3A_621 = arith.constant 0 : i32
      %dma_wait3A_622 = arith.constant 0 : i32
      %dma_wait3A_623 = tpu.memref_slice %arg6[%dma_wait3A_610, %dma_wait3A_621, %dma_wait3A_622] : memref<4x32x768xf32, #tpu.memory_space<vmem>> -> memref<1x32x768xf32, #tpu.memory_space<vmem>>
      %dma_wait3A_624 = tpu.memref_squeeze %dma_wait3A_623 : memref<1x32x768xf32, #tpu.memory_space<vmem>> -> memref<32x768xf32, #tpu.memory_space<vmem>>
      tpu.wait_dma2 semaphore(%arg12 : memref<!tpu.dma_semaphore, #tpu.memory_space<semaphore_mem>>) src(%dma_wait3A_624 : memref<32x768xf32, #tpu.memory_space<vmem>>) dst(%dma_wait3A_620 : memref<32x768xf32, #tpu.memory_space<hbm>>)
      %mul3A_625 = arith.constant 32 : i32
      %mul3A_626 = arith.muli %add3A_609, %mul3A_625 : i32
      %dma_start3A_627 = arith.constant 1 : i32
      %dma_start3A_628 = arith.constant 0 : i32
      %dma_start3A_629 = arith.constant 0 : i32
      %dma_start3A_630 = tpu.memref_slice %arg6[%dma_start3A_627, %dma_start3A_628, %dma_start3A_629] : memref<4x32x768xf32, #tpu.memory_space<vmem>> -> memref<1x32x768xf32, #tpu.memory_space<vmem>>
      %dma_start3A_631 = tpu.memref_squeeze %dma_start3A_630 : memref<1x32x768xf32, #tpu.memory_space<vmem>> -> memref<32x768xf32, #tpu.memory_space<vmem>>
      %dma_start3A_632 = tpu.memref_slice %arg5[%mul3A_626] : memref<25600xi32, #tpu.memory_space<vmem>> -> memref<32xi32, #tpu.memory_space<vmem>>
      %dma_start3A_633 = arith.constant 0 : i32
      %dma_start3A_634 = arith.constant 0 : i32
      %dma_start3A_635 = tpu.memref_slice %arg2[%dma_start3A_633, %dma_start3A_634] : memref<32128x768xf32, #tpu.memory_space<hbm>> -> memref<32128x768xf32, #tpu.memory_space<hbm>>
      tpu.enqueue_indirect_dma source(%dma_start3A_635 : memref<32128x768xf32, #tpu.memory_space<hbm>>) target(%dma_start3A_631 : memref<32x768xf32, #tpu.memory_space<vmem>>) offsets(%dma_start3A_632 : memref<32xi32, #tpu.memory_space<vmem>>) semaphore(%arg8 : memref<!tpu.dma_semaphore, #tpu.memory_space<semaphore_mem>>)
      %mul3A_636 = arith.constant 4 : i32
      %mul3A_637 = arith.muli %scan3A_446, %mul3A_636 : i32
      %add3A_638 = arith.constant 3 : i32
      %add3A_639 = arith.addi %mul3A_637, %add3A_638 : i32
      %dma_wait3A_640 = arith.constant 3 : i32
      %dma_wait3A_641 = arith.constant 0 : i32
      %dma_wait3A_642 = arith.constant 0 : i32
      %dma_wait3A_643 = tpu.memref_slice %arg6[%dma_wait3A_640, %dma_wait3A_641, %dma_wait3A_642] : memref<4x32x768xf32, #tpu.memory_space<vmem>> -> memref<1x32x768xf32, #tpu.memory_space<vmem>>
      %dma_wait3A_644 = tpu.memref_squeeze %dma_wait3A_643 : memref<1x32x768xf32, #tpu.memory_space<vmem>> -> memref<32x768xf32, #tpu.memory_space<vmem>>
      %dma_wait3A_645 = arith.constant 0 : i32
      %dma_wait3A_646 = arith.constant 0 : i32
      %dma_wait3A_647 = tpu.memref_slice %arg2[%dma_wait3A_645, %dma_wait3A_646] : memref<32128x768xf32, #tpu.memory_space<hbm>> -> memref<32x768xf32, #tpu.memory_space<hbm>>
      %dma_wait3A_648 = arith.constant 0 : i32
      %dma_wait3A_649 = arith.constant 0 : i32
      %dma_wait3A_650 = tpu.memref_slice %arg6[%dma_wait3A_640, %dma_wait3A_648, %dma_wait3A_649] : memref<4x32x768xf32, #tpu.memory_space<vmem>> -> memref<1x32x768xf32, #tpu.memory_space<vmem>>
      %dma_wait3A_651 = tpu.memref_squeeze %dma_wait3A_650 : memref<1x32x768xf32, #tpu.memory_space<vmem>> -> memref<32x768xf32, #tpu.memory_space<vmem>>
      %dma_wait3A_652 = arith.constant 0 : i32
      %dma_wait3A_653 = arith.constant 0 : i32
      %dma_wait3A_654 = tpu.memref_slice %arg2[%dma_wait3A_652, %dma_wait3A_653] : memref<32128x768xf32, #tpu.memory_space<hbm>> -> memref<32x768xf32, #tpu.memory_space<hbm>>
      tpu.wait_dma2 semaphore(%arg10 : memref<!tpu.dma_semaphore, #tpu.memory_space<semaphore_mem>>) src(%dma_wait3A_654 : memref<32x768xf32, #tpu.memory_space<hbm>>) dst(%dma_wait3A_651 : memref<32x768xf32, #tpu.memory_space<vmem>>)
      %mul3A_655 = arith.constant 32 : i32
      %mul3A_656 = arith.muli %add3A_639, %mul3A_655 : i32
      %add3A_657 = arith.addi %mul3A_2, %mul3A_656 : i32
      %dma_start3A_658 = arith.constant 3 : i32
      %dma_start3A_659 = arith.constant 0 : i32
      %dma_start3A_660 = arith.constant 0 : i32
      %dma_start3A_661 = tpu.memref_slice %arg6[%dma_start3A_658, %dma_start3A_659, %dma_start3A_660] : memref<4x32x768xf32, #tpu.memory_space<vmem>> -> memref<1x32x768xf32, #tpu.memory_space<vmem>>
      %dma_start3A_662 = tpu.memref_squeeze %dma_start3A_661 : memref<1x32x768xf32, #tpu.memory_space<vmem>> -> memref<32x768xf32, #tpu.memory_space<vmem>>
      %dma_start3A_663 = arith.constant 0 : i32
      %dma_start3A_664 = tpu.memref_slice %arg4[%add3A_657, %dma_start3A_663] : memref<819200x768xf32, #tpu.memory_space<hbm>> -> memref<32x768xf32, #tpu.memory_space<hbm>>
      %dma_start3A_665 = arith.constant 0 : i32
      %dma_start3A_666 = tpu.memref_slice %arg4[%add3A_657, %dma_start3A_665] : memref<819200x768xf32, #tpu.memory_space<hbm>> -> memref<32x768xf32, #tpu.memory_space<hbm>>
      %dma_start3A_667 = arith.constant 0 : i32
      %dma_start3A_668 = arith.constant 0 : i32
      %dma_start3A_669 = tpu.memref_slice %arg6[%dma_start3A_658, %dma_start3A_667, %dma_start3A_668] : memref<4x32x768xf32, #tpu.memory_space<vmem>> -> memref<1x32x768xf32, #tpu.memory_space<vmem>>
      %dma_start3A_670 = tpu.memref_squeeze %dma_start3A_669 : memref<1x32x768xf32, #tpu.memory_space<vmem>> -> memref<32x768xf32, #tpu.memory_space<vmem>>
      tpu.enqueue_dma source(%dma_start3A_670 : memref<32x768xf32, #tpu.memory_space<vmem>>) target(%dma_start3A_666 : memref<32x768xf32, #tpu.memory_space<hbm>>) target_semaphore(%arg14 : memref<!tpu.dma_semaphore, #tpu.memory_space<semaphore_mem>>)
      %add3A_671 = arith.constant 3 : i32
      %add3A_672 = arith.addi %add3A_639, %add3A_671 : i32
      %dma_wait3A_673 = arith.constant 2 : i32
      %dma_wait3A_674 = arith.constant 0 : i32
      %dma_wait3A_675 = arith.constant 0 : i32
      %dma_wait3A_676 = tpu.memref_slice %arg6[%dma_wait3A_673, %dma_wait3A_674, %dma_wait3A_675] : memref<4x32x768xf32, #tpu.memory_space<vmem>> -> memref<1x32x768xf32, #tpu.memory_space<vmem>>
      %dma_wait3A_677 = tpu.memref_squeeze %dma_wait3A_676 : memref<1x32x768xf32, #tpu.memory_space<vmem>> -> memref<32x768xf32, #tpu.memory_space<vmem>>
      %dma_wait3A_678 = arith.constant 0 : i32
      %dma_wait3A_679 = arith.constant 0 : i32
      %dma_wait3A_680 = tpu.memref_slice %arg4[%dma_wait3A_678, %dma_wait3A_679] : memref<819200x768xf32, #tpu.memory_space<hbm>> -> memref<32x768xf32, #tpu.memory_space<hbm>>
      %dma_wait3A_681 = arith.constant 0 : i32
      %dma_wait3A_682 = arith.constant 0 : i32
      %dma_wait3A_683 = tpu.memref_slice %arg4[%dma_wait3A_681, %dma_wait3A_682] : memref<819200x768xf32, #tpu.memory_space<hbm>> -> memref<32x768xf32, #tpu.memory_space<hbm>>
      %dma_wait3A_684 = arith.constant 0 : i32
      %dma_wait3A_685 = arith.constant 0 : i32
      %dma_wait3A_686 = tpu.memref_slice %arg6[%dma_wait3A_673, %dma_wait3A_684, %dma_wait3A_685] : memref<4x32x768xf32, #tpu.memory_space<vmem>> -> memref<1x32x768xf32, #tpu.memory_space<vmem>>
      %dma_wait3A_687 = tpu.memref_squeeze %dma_wait3A_686 : memref<1x32x768xf32, #tpu.memory_space<vmem>> -> memref<32x768xf32, #tpu.memory_space<vmem>>
      tpu.wait_dma2 semaphore(%arg13 : memref<!tpu.dma_semaphore, #tpu.memory_space<semaphore_mem>>) src(%dma_wait3A_687 : memref<32x768xf32, #tpu.memory_space<vmem>>) dst(%dma_wait3A_683 : memref<32x768xf32, #tpu.memory_space<hbm>>)
      %mul3A_688 = arith.constant 32 : i32
      %mul3A_689 = arith.muli %add3A_672, %mul3A_688 : i32
      %dma_start3A_690 = arith.constant 2 : i32
      %dma_start3A_691 = arith.constant 0 : i32
      %dma_start3A_692 = arith.constant 0 : i32
      %dma_start3A_693 = tpu.memref_slice %arg6[%dma_start3A_690, %dma_start3A_691, %dma_start3A_692] : memref<4x32x768xf32, #tpu.memory_space<vmem>> -> memref<1x32x768xf32, #tpu.memory_space<vmem>>
      %dma_start3A_694 = tpu.memref_squeeze %dma_start3A_693 : memref<1x32x768xf32, #tpu.memory_space<vmem>> -> memref<32x768xf32, #tpu.memory_space<vmem>>
      %dma_start3A_695 = tpu.memref_slice %arg5[%mul3A_689] : memref<25600xi32, #tpu.memory_space<vmem>> -> memref<32xi32, #tpu.memory_space<vmem>>
      %dma_start3A_696 = arith.constant 0 : i32
      %dma_start3A_697 = arith.constant 0 : i32
      %dma_start3A_698 = tpu.memref_slice %arg2[%dma_start3A_696, %dma_start3A_697] : memref<32128x768xf32, #tpu.memory_space<hbm>> -> memref<32128x768xf32, #tpu.memory_space<hbm>>
      tpu.enqueue_indirect_dma source(%dma_start3A_698 : memref<32128x768xf32, #tpu.memory_space<hbm>>) target(%dma_start3A_694 : memref<32x768xf32, #tpu.memory_space<vmem>>) offsets(%dma_start3A_695 : memref<32xi32, #tpu.memory_space<vmem>>) semaphore(%arg9 : memref<!tpu.dma_semaphore, #tpu.memory_space<semaphore_mem>>)
    }
    %scan3A_240 = arith.constant 198 : i32
    %dma_wait3A_241 = arith.constant 0 : i32
    %dma_wait3A_242 = arith.constant 0 : i32
    %dma_wait3A_243 = arith.constant 0 : i32
    %dma_wait3A_244 = tpu.memref_slice %arg6[%dma_wait3A_241, %dma_wait3A_242, %dma_wait3A_243] : memref<4x32x768xf32, #tpu.memory_space<vmem>> -> memref<1x32x768xf32, #tpu.memory_space<vmem>>
    %dma_wait3A_245 = tpu.memref_squeeze %dma_wait3A_244 : memref<1x32x768xf32, #tpu.memory_space<vmem>> -> memref<32x768xf32, #tpu.memory_space<vmem>>
    %dma_wait3A_246 = arith.constant 0 : i32
    %dma_wait3A_247 = arith.constant 0 : i32
    %dma_wait3A_248 = tpu.memref_slice %arg2[%dma_wait3A_246, %dma_wait3A_247] : memref<32128x768xf32, #tpu.memory_space<hbm>> -> memref<32x768xf32, #tpu.memory_space<hbm>>
    %dma_wait3A_249 = arith.constant 0 : i32
    %dma_wait3A_250 = arith.constant 0 : i32
    %dma_wait3A_251 = tpu.memref_slice %arg6[%dma_wait3A_241, %dma_wait3A_249, %dma_wait3A_250] : memref<4x32x768xf32, #tpu.memory_space<vmem>> -> memref<1x32x768xf32, #tpu.memory_space<vmem>>
    %dma_wait3A_252 = tpu.memref_squeeze %dma_wait3A_251 : memref<1x32x768xf32, #tpu.memory_space<vmem>> -> memref<32x768xf32, #tpu.memory_space<vmem>>
    %dma_wait3A_253 = arith.constant 0 : i32
    %dma_wait3A_254 = arith.constant 0 : i32
    %dma_wait3A_255 = tpu.memref_slice %arg2[%dma_wait3A_253, %dma_wait3A_254] : memref<32128x768xf32, #tpu.memory_space<hbm>> -> memref<32x768xf32, #tpu.memory_space<hbm>>
    tpu.wait_dma2 semaphore(%arg7 : memref<!tpu.dma_semaphore, #tpu.memory_space<semaphore_mem>>) src(%dma_wait3A_255 : memref<32x768xf32, #tpu.memory_space<hbm>>) dst(%dma_wait3A_252 : memref<32x768xf32, #tpu.memory_space<vmem>>)
    %add3A_256 = arith.constant 25472 : i32
    %add3A_257 = arith.addi %mul3A_2, %add3A_256 : i32
    %dma_start3A_258 = arith.constant 0 : i32
    %dma_start3A_259 = arith.constant 0 : i32
    %dma_start3A_260 = arith.constant 0 : i32
    %dma_start3A_261 = tpu.memref_slice %arg6[%dma_start3A_258, %dma_start3A_259, %dma_start3A_260] : memref<4x32x768xf32, #tpu.memory_space<vmem>> -> memref<1x32x768xf32, #tpu.memory_space<vmem>>
    %dma_start3A_262 = tpu.memref_squeeze %dma_start3A_261 : memref<1x32x768xf32, #tpu.memory_space<vmem>> -> memref<32x768xf32, #tpu.memory_space<vmem>>
    %dma_start3A_263 = arith.constant 0 : i32
    %dma_start3A_264 = tpu.memref_slice %arg4[%add3A_257, %dma_start3A_263] : memref<819200x768xf32, #tpu.memory_space<hbm>> -> memref<32x768xf32, #tpu.memory_space<hbm>>
    %dma_start3A_265 = arith.constant 0 : i32
    %dma_start3A_266 = tpu.memref_slice %arg4[%add3A_257, %dma_start3A_265] : memref<819200x768xf32, #tpu.memory_space<hbm>> -> memref<32x768xf32, #tpu.memory_space<hbm>>
    %dma_start3A_267 = arith.constant 0 : i32
    %dma_start3A_268 = arith.constant 0 : i32
    %dma_start3A_269 = tpu.memref_slice %arg6[%dma_start3A_258, %dma_start3A_267, %dma_start3A_268] : memref<4x32x768xf32, #tpu.memory_space<vmem>> -> memref<1x32x768xf32, #tpu.memory_space<vmem>>
    %dma_start3A_270 = tpu.memref_squeeze %dma_start3A_269 : memref<1x32x768xf32, #tpu.memory_space<vmem>> -> memref<32x768xf32, #tpu.memory_space<vmem>>
    tpu.enqueue_dma source(%dma_start3A_270 : memref<32x768xf32, #tpu.memory_space<vmem>>) target(%dma_start3A_266 : memref<32x768xf32, #tpu.memory_space<hbm>>) target_semaphore(%arg11 : memref<!tpu.dma_semaphore, #tpu.memory_space<semaphore_mem>>)
    %dma_wait3A_271 = arith.constant 3 : i32
    %dma_wait3A_272 = arith.constant 0 : i32
    %dma_wait3A_273 = arith.constant 0 : i32
    %dma_wait3A_274 = tpu.memref_slice %arg6[%dma_wait3A_271, %dma_wait3A_272, %dma_wait3A_273] : memref<4x32x768xf32, #tpu.memory_space<vmem>> -> memref<1x32x768xf32, #tpu.memory_space<vmem>>
    %dma_wait3A_275 = tpu.memref_squeeze %dma_wait3A_274 : memref<1x32x768xf32, #tpu.memory_space<vmem>> -> memref<32x768xf32, #tpu.memory_space<vmem>>
    %dma_wait3A_276 = arith.constant 0 : i32
    %dma_wait3A_277 = arith.constant 0 : i32
    %dma_wait3A_278 = tpu.memref_slice %arg4[%dma_wait3A_276, %dma_wait3A_277] : memref<819200x768xf32, #tpu.memory_space<hbm>> -> memref<32x768xf32, #tpu.memory_space<hbm>>
    %dma_wait3A_279 = arith.constant 0 : i32
    %dma_wait3A_280 = arith.constant 0 : i32
    %dma_wait3A_281 = tpu.memref_slice %arg4[%dma_wait3A_279, %dma_wait3A_280] : memref<819200x768xf32, #tpu.memory_space<hbm>> -> memref<32x768xf32, #tpu.memory_space<hbm>>
    %dma_wait3A_282 = arith.constant 0 : i32
    %dma_wait3A_283 = arith.constant 0 : i32
    %dma_wait3A_284 = tpu.memref_slice %arg6[%dma_wait3A_271, %dma_wait3A_282, %dma_wait3A_283] : memref<4x32x768xf32, #tpu.memory_space<vmem>> -> memref<1x32x768xf32, #tpu.memory_space<vmem>>
    %dma_wait3A_285 = tpu.memref_squeeze %dma_wait3A_284 : memref<1x32x768xf32, #tpu.memory_space<vmem>> -> memref<32x768xf32, #tpu.memory_space<vmem>>
    tpu.wait_dma2 semaphore(%arg14 : memref<!tpu.dma_semaphore, #tpu.memory_space<semaphore_mem>>) src(%dma_wait3A_285 : memref<32x768xf32, #tpu.memory_space<vmem>>) dst(%dma_wait3A_281 : memref<32x768xf32, #tpu.memory_space<hbm>>)
    %dma_start3A_286 = arith.constant 3 : i32
    %dma_start3A_287 = arith.constant 0 : i32
    %dma_start3A_288 = arith.constant 0 : i32
    %dma_start3A_289 = tpu.memref_slice %arg6[%dma_start3A_286, %dma_start3A_287, %dma_start3A_288] : memref<4x32x768xf32, #tpu.memory_space<vmem>> -> memref<1x32x768xf32, #tpu.memory_space<vmem>>
    %dma_start3A_290 = tpu.memref_squeeze %dma_start3A_289 : memref<1x32x768xf32, #tpu.memory_space<vmem>> -> memref<32x768xf32, #tpu.memory_space<vmem>>
    %dma_start3A_291 = arith.constant 25568 : i32
    %dma_start3A_292 = tpu.memref_slice %arg5[%dma_start3A_291] : memref<25600xi32, #tpu.memory_space<vmem>> -> memref<32xi32, #tpu.memory_space<vmem>>
    %dma_start3A_293 = arith.constant 0 : i32
    %dma_start3A_294 = arith.constant 0 : i32
    %dma_start3A_295 = tpu.memref_slice %arg2[%dma_start3A_293, %dma_start3A_294] : memref<32128x768xf32, #tpu.memory_space<hbm>> -> memref<32128x768xf32, #tpu.memory_space<hbm>>
    tpu.enqueue_indirect_dma source(%dma_start3A_295 : memref<32128x768xf32, #tpu.memory_space<hbm>>) target(%dma_start3A_290 : memref<32x768xf32, #tpu.memory_space<vmem>>) offsets(%dma_start3A_292 : memref<32xi32, #tpu.memory_space<vmem>>) semaphore(%arg10 : memref<!tpu.dma_semaphore, #tpu.memory_space<semaphore_mem>>)
    %dma_wait3A_296 = arith.constant 1 : i32
    %dma_wait3A_297 = arith.constant 0 : i32
    %dma_wait3A_298 = arith.constant 0 : i32
    %dma_wait3A_299 = tpu.memref_slice %arg6[%dma_wait3A_296, %dma_wait3A_297, %dma_wait3A_298] : memref<4x32x768xf32, #tpu.memory_space<vmem>> -> memref<1x32x768xf32, #tpu.memory_space<vmem>>
    %dma_wait3A_300 = tpu.memref_squeeze %dma_wait3A_299 : memref<1x32x768xf32, #tpu.memory_space<vmem>> -> memref<32x768xf32, #tpu.memory_space<vmem>>
    %dma_wait3A_301 = arith.constant 0 : i32
    %dma_wait3A_302 = arith.constant 0 : i32
    %dma_wait3A_303 = tpu.memref_slice %arg2[%dma_wait3A_301, %dma_wait3A_302] : memref<32128x768xf32, #tpu.memory_space<hbm>> -> memref<32x768xf32, #tpu.memory_space<hbm>>
    %dma_wait3A_304 = arith.constant 0 : i32
    %dma_wait3A_305 = arith.constant 0 : i32
    %dma_wait3A_306 = tpu.memref_slice %arg6[%dma_wait3A_296, %dma_wait3A_304, %dma_wait3A_305] : memref<4x32x768xf32, #tpu.memory_space<vmem>> -> memref<1x32x768xf32, #tpu.memory_space<vmem>>
    %dma_wait3A_307 = tpu.memref_squeeze %dma_wait3A_306 : memref<1x32x768xf32, #tpu.memory_space<vmem>> -> memref<32x768xf32, #tpu.memory_space<vmem>>
    %dma_wait3A_308 = arith.constant 0 : i32
    %dma_wait3A_309 = arith.constant 0 : i32
    %dma_wait3A_310 = tpu.memref_slice %arg2[%dma_wait3A_308, %dma_wait3A_309] : memref<32128x768xf32, #tpu.memory_space<hbm>> -> memref<32x768xf32, #tpu.memory_space<hbm>>
    tpu.wait_dma2 semaphore(%arg8 : memref<!tpu.dma_semaphore, #tpu.memory_space<semaphore_mem>>) src(%dma_wait3A_310 : memref<32x768xf32, #tpu.memory_space<hbm>>) dst(%dma_wait3A_307 : memref<32x768xf32, #tpu.memory_space<vmem>>)
    %add3A_311 = arith.constant 25504 : i32
    %add3A_312 = arith.addi %mul3A_2, %add3A_311 : i32
    %dma_start3A_313 = arith.constant 1 : i32
    %dma_start3A_314 = arith.constant 0 : i32
    %dma_start3A_315 = arith.constant 0 : i32
    %dma_start3A_316 = tpu.memref_slice %arg6[%dma_start3A_313, %dma_start3A_314, %dma_start3A_315] : memref<4x32x768xf32, #tpu.memory_space<vmem>> -> memref<1x32x768xf32, #tpu.memory_space<vmem>>
    %dma_start3A_317 = tpu.memref_squeeze %dma_start3A_316 : memref<1x32x768xf32, #tpu.memory_space<vmem>> -> memref<32x768xf32, #tpu.memory_space<vmem>>
    %dma_start3A_318 = arith.constant 0 : i32
    %dma_start3A_319 = tpu.memref_slice %arg4[%add3A_312, %dma_start3A_318] : memref<819200x768xf32, #tpu.memory_space<hbm>> -> memref<32x768xf32, #tpu.memory_space<hbm>>
    %dma_start3A_320 = arith.constant 0 : i32
    %dma_start3A_321 = tpu.memref_slice %arg4[%add3A_312, %dma_start3A_320] : memref<819200x768xf32, #tpu.memory_space<hbm>> -> memref<32x768xf32, #tpu.memory_space<hbm>>
    %dma_start3A_322 = arith.constant 0 : i32
    %dma_start3A_323 = arith.constant 0 : i32
    %dma_start3A_324 = tpu.memref_slice %arg6[%dma_start3A_313, %dma_start3A_322, %dma_start3A_323] : memref<4x32x768xf32, #tpu.memory_space<vmem>> -> memref<1x32x768xf32, #tpu.memory_space<vmem>>
    %dma_start3A_325 = tpu.memref_squeeze %dma_start3A_324 : memref<1x32x768xf32, #tpu.memory_space<vmem>> -> memref<32x768xf32, #tpu.memory_space<vmem>>
    tpu.enqueue_dma source(%dma_start3A_325 : memref<32x768xf32, #tpu.memory_space<vmem>>) target(%dma_start3A_321 : memref<32x768xf32, #tpu.memory_space<hbm>>) target_semaphore(%arg12 : memref<!tpu.dma_semaphore, #tpu.memory_space<semaphore_mem>>)
    %dma_wait3A_326 = arith.constant 2 : i32
    %dma_wait3A_327 = arith.constant 0 : i32
    %dma_wait3A_328 = arith.constant 0 : i32
    %dma_wait3A_329 = tpu.memref_slice %arg6[%dma_wait3A_326, %dma_wait3A_327, %dma_wait3A_328] : memref<4x32x768xf32, #tpu.memory_space<vmem>> -> memref<1x32x768xf32, #tpu.memory_space<vmem>>
    %dma_wait3A_330 = tpu.memref_squeeze %dma_wait3A_329 : memref<1x32x768xf32, #tpu.memory_space<vmem>> -> memref<32x768xf32, #tpu.memory_space<vmem>>
    %dma_wait3A_331 = arith.constant 0 : i32
    %dma_wait3A_332 = arith.constant 0 : i32
    %dma_wait3A_333 = tpu.memref_slice %arg2[%dma_wait3A_331, %dma_wait3A_332] : memref<32128x768xf32, #tpu.memory_space<hbm>> -> memref<32x768xf32, #tpu.memory_space<hbm>>
    %dma_wait3A_334 = arith.constant 0 : i32
    %dma_wait3A_335 = arith.constant 0 : i32
    %dma_wait3A_336 = tpu.memref_slice %arg6[%dma_wait3A_326, %dma_wait3A_334, %dma_wait3A_335] : memref<4x32x768xf32, #tpu.memory_space<vmem>> -> memref<1x32x768xf32, #tpu.memory_space<vmem>>
    %dma_wait3A_337 = tpu.memref_squeeze %dma_wait3A_336 : memref<1x32x768xf32, #tpu.memory_space<vmem>> -> memref<32x768xf32, #tpu.memory_space<vmem>>
    %dma_wait3A_338 = arith.constant 0 : i32
    %dma_wait3A_339 = arith.constant 0 : i32
    %dma_wait3A_340 = tpu.memref_slice %arg2[%dma_wait3A_338, %dma_wait3A_339] : memref<32128x768xf32, #tpu.memory_space<hbm>> -> memref<32x768xf32, #tpu.memory_space<hbm>>
    tpu.wait_dma2 semaphore(%arg9 : memref<!tpu.dma_semaphore, #tpu.memory_space<semaphore_mem>>) src(%dma_wait3A_340 : memref<32x768xf32, #tpu.memory_space<hbm>>) dst(%dma_wait3A_337 : memref<32x768xf32, #tpu.memory_space<vmem>>)
    %add3A_341 = arith.constant 25536 : i32
    %add3A_342 = arith.addi %mul3A_2, %add3A_341 : i32
    %dma_start3A_343 = arith.constant 2 : i32
    %dma_start3A_344 = arith.constant 0 : i32
    %dma_start3A_345 = arith.constant 0 : i32
    %dma_start3A_346 = tpu.memref_slice %arg6[%dma_start3A_343, %dma_start3A_344, %dma_start3A_345] : memref<4x32x768xf32, #tpu.memory_space<vmem>> -> memref<1x32x768xf32, #tpu.memory_space<vmem>>
    %dma_start3A_347 = tpu.memref_squeeze %dma_start3A_346 : memref<1x32x768xf32, #tpu.memory_space<vmem>> -> memref<32x768xf32, #tpu.memory_space<vmem>>
    %dma_start3A_348 = arith.constant 0 : i32
    %dma_start3A_349 = tpu.memref_slice %arg4[%add3A_342, %dma_start3A_348] : memref<819200x768xf32, #tpu.memory_space<hbm>> -> memref<32x768xf32, #tpu.memory_space<hbm>>
    %dma_start3A_350 = arith.constant 0 : i32
    %dma_start3A_351 = tpu.memref_slice %arg4[%add3A_342, %dma_start3A_350] : memref<819200x768xf32, #tpu.memory_space<hbm>> -> memref<32x768xf32, #tpu.memory_space<hbm>>
    %dma_start3A_352 = arith.constant 0 : i32
    %dma_start3A_353 = arith.constant 0 : i32
    %dma_start3A_354 = tpu.memref_slice %arg6[%dma_start3A_343, %dma_start3A_352, %dma_start3A_353] : memref<4x32x768xf32, #tpu.memory_space<vmem>> -> memref<1x32x768xf32, #tpu.memory_space<vmem>>
    %dma_start3A_355 = tpu.memref_squeeze %dma_start3A_354 : memref<1x32x768xf32, #tpu.memory_space<vmem>> -> memref<32x768xf32, #tpu.memory_space<vmem>>
    tpu.enqueue_dma source(%dma_start3A_355 : memref<32x768xf32, #tpu.memory_space<vmem>>) target(%dma_start3A_351 : memref<32x768xf32, #tpu.memory_space<hbm>>) target_semaphore(%arg13 : memref<!tpu.dma_semaphore, #tpu.memory_space<semaphore_mem>>)
    %dma_wait3A_356 = arith.constant 3 : i32
    %dma_wait3A_357 = arith.constant 0 : i32
    %dma_wait3A_358 = arith.constant 0 : i32
    %dma_wait3A_359 = tpu.memref_slice %arg6[%dma_wait3A_356, %dma_wait3A_357, %dma_wait3A_358] : memref<4x32x768xf32, #tpu.memory_space<vmem>> -> memref<1x32x768xf32, #tpu.memory_space<vmem>>
    %dma_wait3A_360 = tpu.memref_squeeze %dma_wait3A_359 : memref<1x32x768xf32, #tpu.memory_space<vmem>> -> memref<32x768xf32, #tpu.memory_space<vmem>>
    %dma_wait3A_361 = arith.constant 0 : i32
    %dma_wait3A_362 = arith.constant 0 : i32
    %dma_wait3A_363 = tpu.memref_slice %arg2[%dma_wait3A_361, %dma_wait3A_362] : memref<32128x768xf32, #tpu.memory_space<hbm>> -> memref<32x768xf32, #tpu.memory_space<hbm>>
    %dma_wait3A_364 = arith.constant 0 : i32
    %dma_wait3A_365 = arith.constant 0 : i32
    %dma_wait3A_366 = tpu.memref_slice %arg6[%dma_wait3A_356, %dma_wait3A_364, %dma_wait3A_365] : memref<4x32x768xf32, #tpu.memory_space<vmem>> -> memref<1x32x768xf32, #tpu.memory_space<vmem>>
    %dma_wait3A_367 = tpu.memref_squeeze %dma_wait3A_366 : memref<1x32x768xf32, #tpu.memory_space<vmem>> -> memref<32x768xf32, #tpu.memory_space<vmem>>
    %dma_wait3A_368 = arith.constant 0 : i32
    %dma_wait3A_369 = arith.constant 0 : i32
    %dma_wait3A_370 = tpu.memref_slice %arg2[%dma_wait3A_368, %dma_wait3A_369] : memref<32128x768xf32, #tpu.memory_space<hbm>> -> memref<32x768xf32, #tpu.memory_space<hbm>>
    tpu.wait_dma2 semaphore(%arg10 : memref<!tpu.dma_semaphore, #tpu.memory_space<semaphore_mem>>) src(%dma_wait3A_370 : memref<32x768xf32, #tpu.memory_space<hbm>>) dst(%dma_wait3A_367 : memref<32x768xf32, #tpu.memory_space<vmem>>)
    %add3A_371 = arith.constant 25568 : i32
    %add3A_372 = arith.addi %mul3A_2, %add3A_371 : i32
    %dma_start3A_373 = arith.constant 3 : i32
    %dma_start3A_374 = arith.constant 0 : i32
    %dma_start3A_375 = arith.constant 0 : i32
    %dma_start3A_376 = tpu.memref_slice %arg6[%dma_start3A_373, %dma_start3A_374, %dma_start3A_375] : memref<4x32x768xf32, #tpu.memory_space<vmem>> -> memref<1x32x768xf32, #tpu.memory_space<vmem>>
    %dma_start3A_377 = tpu.memref_squeeze %dma_start3A_376 : memref<1x32x768xf32, #tpu.memory_space<vmem>> -> memref<32x768xf32, #tpu.memory_space<vmem>>
    %dma_start3A_378 = arith.constant 0 : i32
    %dma_start3A_379 = tpu.memref_slice %arg4[%add3A_372, %dma_start3A_378] : memref<819200x768xf32, #tpu.memory_space<hbm>> -> memref<32x768xf32, #tpu.memory_space<hbm>>
    %dma_start3A_380 = arith.constant 0 : i32
    %dma_start3A_381 = tpu.memref_slice %arg4[%add3A_372, %dma_start3A_380] : memref<819200x768xf32, #tpu.memory_space<hbm>> -> memref<32x768xf32, #tpu.memory_space<hbm>>
    %dma_start3A_382 = arith.constant 0 : i32
    %dma_start3A_383 = arith.constant 0 : i32
    %dma_start3A_384 = tpu.memref_slice %arg6[%dma_start3A_373, %dma_start3A_382, %dma_start3A_383] : memref<4x32x768xf32, #tpu.memory_space<vmem>> -> memref<1x32x768xf32, #tpu.memory_space<vmem>>
    %dma_start3A_385 = tpu.memref_squeeze %dma_start3A_384 : memref<1x32x768xf32, #tpu.memory_space<vmem>> -> memref<32x768xf32, #tpu.memory_space<vmem>>
    tpu.enqueue_dma source(%dma_start3A_385 : memref<32x768xf32, #tpu.memory_space<vmem>>) target(%dma_start3A_381 : memref<32x768xf32, #tpu.memory_space<hbm>>) target_semaphore(%arg14 : memref<!tpu.dma_semaphore, #tpu.memory_space<semaphore_mem>>)
    %dma_wait3A_386 = arith.constant 0 : i32
    %dma_wait3A_387 = arith.constant 0 : i32
    %dma_wait3A_388 = arith.constant 0 : i32
    %dma_wait3A_389 = tpu.memref_slice %arg6[%dma_wait3A_386, %dma_wait3A_387, %dma_wait3A_388] : memref<4x32x768xf32, #tpu.memory_space<vmem>> -> memref<1x32x768xf32, #tpu.memory_space<vmem>>
    %dma_wait3A_390 = tpu.memref_squeeze %dma_wait3A_389 : memref<1x32x768xf32, #tpu.memory_space<vmem>> -> memref<32x768xf32, #tpu.memory_space<vmem>>
    %dma_wait3A_391 = arith.constant 0 : i32
    %dma_wait3A_392 = arith.constant 0 : i32
    %dma_wait3A_393 = tpu.memref_slice %arg4[%dma_wait3A_391, %dma_wait3A_392] : memref<819200x768xf32, #tpu.memory_space<hbm>> -> memref<32x768xf32, #tpu.memory_space<hbm>>
    %dma_wait3A_394 = arith.constant 0 : i32
    %dma_wait3A_395 = arith.constant 0 : i32
    %dma_wait3A_396 = tpu.memref_slice %arg4[%dma_wait3A_394, %dma_wait3A_395] : memref<819200x768xf32, #tpu.memory_space<hbm>> -> memref<32x768xf32, #tpu.memory_space<hbm>>
    %dma_wait3A_397 = arith.constant 0 : i32
    %dma_wait3A_398 = arith.constant 0 : i32
    %dma_wait3A_399 = tpu.memref_slice %arg6[%dma_wait3A_386, %dma_wait3A_397, %dma_wait3A_398] : memref<4x32x768xf32, #tpu.memory_space<vmem>> -> memref<1x32x768xf32, #tpu.memory_space<vmem>>
    %dma_wait3A_400 = tpu.memref_squeeze %dma_wait3A_399 : memref<1x32x768xf32, #tpu.memory_space<vmem>> -> memref<32x768xf32, #tpu.memory_space<vmem>>
    tpu.wait_dma2 semaphore(%arg11 : memref<!tpu.dma_semaphore, #tpu.memory_space<semaphore_mem>>) src(%dma_wait3A_400 : memref<32x768xf32, #tpu.memory_space<vmem>>) dst(%dma_wait3A_396 : memref<32x768xf32, #tpu.memory_space<hbm>>)
    %dma_wait3A_401 = arith.constant 1 : i32
    %dma_wait3A_402 = arith.constant 0 : i32
    %dma_wait3A_403 = arith.constant 0 : i32
    %dma_wait3A_404 = tpu.memref_slice %arg6[%dma_wait3A_401, %dma_wait3A_402, %dma_wait3A_403] : memref<4x32x768xf32, #tpu.memory_space<vmem>> -> memref<1x32x768xf32, #tpu.memory_space<vmem>>
    %dma_wait3A_405 = tpu.memref_squeeze %dma_wait3A_404 : memref<1x32x768xf32, #tpu.memory_space<vmem>> -> memref<32x768xf32, #tpu.memory_space<vmem>>
    %dma_wait3A_406 = arith.constant 0 : i32
    %dma_wait3A_407 = arith.constant 0 : i32
    %dma_wait3A_408 = tpu.memref_slice %arg4[%dma_wait3A_406, %dma_wait3A_407] : memref<819200x768xf32, #tpu.memory_space<hbm>> -> memref<32x768xf32, #tpu.memory_space<hbm>>
    %dma_wait3A_409 = arith.constant 0 : i32
    %dma_wait3A_410 = arith.constant 0 : i32
    %dma_wait3A_411 = tpu.memref_slice %arg4[%dma_wait3A_409, %dma_wait3A_410] : memref<819200x768xf32, #tpu.memory_space<hbm>> -> memref<32x768xf32, #tpu.memory_space<hbm>>
    %dma_wait3A_412 = arith.constant 0 : i32
    %dma_wait3A_413 = arith.constant 0 : i32
    %dma_wait3A_414 = tpu.memref_slice %arg6[%dma_wait3A_401, %dma_wait3A_412, %dma_wait3A_413] : memref<4x32x768xf32, #tpu.memory_space<vmem>> -> memref<1x32x768xf32, #tpu.memory_space<vmem>>
    %dma_wait3A_415 = tpu.memref_squeeze %dma_wait3A_414 : memref<1x32x768xf32, #tpu.memory_space<vmem>> -> memref<32x768xf32, #tpu.memory_space<vmem>>
    tpu.wait_dma2 semaphore(%arg12 : memref<!tpu.dma_semaphore, #tpu.memory_space<semaphore_mem>>) src(%dma_wait3A_415 : memref<32x768xf32, #tpu.memory_space<vmem>>) dst(%dma_wait3A_411 : memref<32x768xf32, #tpu.memory_space<hbm>>)
    %dma_wait3A_416 = arith.constant 2 : i32
    %dma_wait3A_417 = arith.constant 0 : i32
    %dma_wait3A_418 = arith.constant 0 : i32
    %dma_wait3A_419 = tpu.memref_slice %arg6[%dma_wait3A_416, %dma_wait3A_417, %dma_wait3A_418] : memref<4x32x768xf32, #tpu.memory_space<vmem>> -> memref<1x32x768xf32, #tpu.memory_space<vmem>>
    %dma_wait3A_420 = tpu.memref_squeeze %dma_wait3A_419 : memref<1x32x768xf32, #tpu.memory_space<vmem>> -> memref<32x768xf32, #tpu.memory_space<vmem>>
    %dma_wait3A_421 = arith.constant 0 : i32
    %dma_wait3A_422 = arith.constant 0 : i32
    %dma_wait3A_423 = tpu.memref_slice %arg4[%dma_wait3A_421, %dma_wait3A_422] : memref<819200x768xf32, #tpu.memory_space<hbm>> -> memref<32x768xf32, #tpu.memory_space<hbm>>
    %dma_wait3A_424 = arith.constant 0 : i32
    %dma_wait3A_425 = arith.constant 0 : i32
    %dma_wait3A_426 = tpu.memref_slice %arg4[%dma_wait3A_424, %dma_wait3A_425] : memref<819200x768xf32, #tpu.memory_space<hbm>> -> memref<32x768xf32, #tpu.memory_space<hbm>>
    %dma_wait3A_427 = arith.constant 0 : i32
    %dma_wait3A_428 = arith.constant 0 : i32
    %dma_wait3A_429 = tpu.memref_slice %arg6[%dma_wait3A_416, %dma_wait3A_427, %dma_wait3A_428] : memref<4x32x768xf32, #tpu.memory_space<vmem>> -> memref<1x32x768xf32, #tpu.memory_space<vmem>>
    %dma_wait3A_430 = tpu.memref_squeeze %dma_wait3A_429 : memref<1x32x768xf32, #tpu.memory_space<vmem>> -> memref<32x768xf32, #tpu.memory_space<vmem>>
    tpu.wait_dma2 semaphore(%arg13 : memref<!tpu.dma_semaphore, #tpu.memory_space<semaphore_mem>>) src(%dma_wait3A_430 : memref<32x768xf32, #tpu.memory_space<vmem>>) dst(%dma_wait3A_426 : memref<32x768xf32, #tpu.memory_space<hbm>>)
    %dma_wait3A_431 = arith.constant 3 : i32
    %dma_wait3A_432 = arith.constant 0 : i32
    %dma_wait3A_433 = arith.constant 0 : i32
    %dma_wait3A_434 = tpu.memref_slice %arg6[%dma_wait3A_431, %dma_wait3A_432, %dma_wait3A_433] : memref<4x32x768xf32, #tpu.memory_space<vmem>> -> memref<1x32x768xf32, #tpu.memory_space<vmem>>
    %dma_wait3A_435 = tpu.memref_squeeze %dma_wait3A_434 : memref<1x32x768xf32, #tpu.memory_space<vmem>> -> memref<32x768xf32, #tpu.memory_space<vmem>>
    %dma_wait3A_436 = arith.constant 0 : i32
    %dma_wait3A_437 = arith.constant 0 : i32
    %dma_wait3A_438 = tpu.memref_slice %arg4[%dma_wait3A_436, %dma_wait3A_437] : memref<819200x768xf32, #tpu.memory_space<hbm>> -> memref<32x768xf32, #tpu.memory_space<hbm>>
    %dma_wait3A_439 = arith.constant 0 : i32
    %dma_wait3A_440 = arith.constant 0 : i32
    %dma_wait3A_441 = tpu.memref_slice %arg4[%dma_wait3A_439, %dma_wait3A_440] : memref<819200x768xf32, #tpu.memory_space<hbm>> -> memref<32x768xf32, #tpu.memory_space<hbm>>
    %dma_wait3A_442 = arith.constant 0 : i32
    %dma_wait3A_443 = arith.constant 0 : i32
    %dma_wait3A_444 = tpu.memref_slice %arg6[%dma_wait3A_431, %dma_wait3A_442, %dma_wait3A_443] : memref<4x32x768xf32, #tpu.memory_space<vmem>> -> memref<1x32x768xf32, #tpu.memory_space<vmem>>
    %dma_wait3A_445 = tpu.memref_squeeze %dma_wait3A_444 : memref<1x32x768xf32, #tpu.memory_space<vmem>> -> memref<32x768xf32, #tpu.memory_space<vmem>>
    tpu.wait_dma2 semaphore(%arg14 : memref<!tpu.dma_semaphore, #tpu.memory_space<semaphore_mem>>) src(%dma_wait3A_445 : memref<32x768xf32, #tpu.memory_space<vmem>>) dst(%dma_wait3A_441 : memref<32x768xf32, #tpu.memory_space<hbm>>)
    return
  }
}

</mosaic_0001>

<sc_bundles>
// kernel: kernel.3.cloned.1.call-start
scs
__scs_entry_jumppad:
0x0: {  	(pc) =	sbr.rel $0x88, $3  }
0x1: {  	(tag) =	ssettag $0x0;
	lr =	simm.s32 $0x1  }
0x2: {  	[smem:$0x3F9F] =	sst lr;
	_ =	strace $0xD0000000  }
0x3: {  	_ = 	snop  }
0x4: {  	_ = 	snop  }
0x5: {  	_ = 	snop  }
0x6: {  	_ = 	snop  }
0x7: {  	_ = 	snop  }
__scs_overlays_trampoline_lowered:
0x8: {  	[smem:$0x3FAE] =	sst s0  }
0x9: {  	[smem:$0x3FAF] =	sst s1  }
0xa: {  	[smem:$0x3FB0] =	sst s2  }
0xb: {  	[smem:$0x3FB1] =	sst s3  }
0xc: {  	[smem:$0x3FB2] =	sst s4  }
0xd: {  	[smem:$0x3FB3] =	sst s5  }
0xe: {  	[smem:$0x3FB4] =	sst s6  }
0xf: {  	[smem:$0x3FB5] =	sst s7  }
0x10: {  	[smem:$0x3FB6] =	sst s8  }
0x11: {  	[smem:$0x3FB7] =	sst s9;
	s0 =	simm.s32 @!p0 $0x0  }
0x12: {  	s1 =	sld [smem:$0x3F9D];
	s0 =	simm.s32 @p0 $0x1  }
0x13: {  	[smem:$0x3FB8] =	sst s0;
	s0 =	simm.s32 @!p1 $0x0  }
0x14: {  	s2 =	sld [smem:$0x3F9C];
	s0 =	simm.s32 @p1 $0x1  }
0x15: {  	[smem:$0x3FB9] =	sst s0;
	s0 =	simm.s32 @!p2 $0x0  }
0x16: {  	s3 =	sld [smem:$0x3FDB];
	s0 =	simm.s32 @p2 $0x1  }
0x17: {  	s4 =	simm.s32 $0x1BF5;
	[smem:$0x3FBB] =	sst s0  }
0x18: {  	s0 =	sld [smem:$0x3F9E];
	_ =	swait.ge [sflag:s4], $0x0  }
0x19: {  	s7 =	sld [smem:$0x3F9F]  }
0x1a: {  	s8 =	sadd.s32 $0xFFFFE003, lr  }
0x1b: {  	s9 =	sadd.s32 $0xFFFFFEF7, lr;
	s5 =	simm.s32 $0xFFFFFFFF;
	p2 =	slt.u32 s8, $0xFFFFF086  }
0x1c: {  	p1 =	slt.u32 s9, $0xF7A;
	s5 =	simm.s32 @!p2 $0x0  }
0x1d: {  	s5 =	simm.s32 @p1 $0x1;
	p0 =	seq.s32 s7, s2  }
0x1e: {  	s7 =	smul.u32 @!p0 $0xF7A, s2;
	p2 =	seq.s32 @!p0 s5, $0x0  }
0x1f: {  	s9 =	smul.u32 $0xF7A, s1;
	s8 =	simm.s32 @!p0 $0x1BF5;
	p2 =	por !p2, p0  }
0x20: {  	[sflag:s8] =	ssyncset.s32 @!p0 $0xFFFFF086;
	s6 =	sadd.s32 @!p0 s3, s7;
	s7 =	simm.s32 @!p0 $0x108  }
0x21: {  	s3 =	sadd.s32 s3, s9;
	s6 =	sadd.s32 @!p0 $0x88, s6;
	s7 =	simm.s32 @p2 $0x1082  }
0x22: {  	[simem:s7], [sflag:s8] =	dma.local @!p0 [hbm:s6], $0xF7A  }
0x23: {  	s9 =	sor.u32 $0xD0000000, s2;
	s6 =	simm.s32 $0x108;
	_ =	swait.ge @!p0 [sflag:s8], $0x0  }
0x24: {  	s3 =	sadd.s32 $0x88, s3;
	s6 =	simm.s32 @!p1 $0x1082;
	[sflag:s4] =	ssyncset.s32 $0xFFFFF086  }
0x25: {  	[simem:s6], [sflag:s4] =	dma.local [hbm:s3], $0xF7A  }
0x26: {  	[smem:$0x3F9F] =	sst s1;
	(tag) =	ssettag s2;
	_ =	strace s9  }
0x27: {  	s1 =	sld [smem:$0x3FAF]  }
0x28: {  	s2 =	sld [smem:$0x3FB0]  }
0x29: {  	s4 =	sld [smem:$0x3FB2]  }
0x2a: {  	p0 =	seq.s32 s5, $0x0;
	s5 =	sld [smem:$0x3FB3]  }
0x2b: {  	s6 =	sld [smem:$0x3FB4]  }
0x2c: {  	s7 =	sld [smem:$0x3FB5]  }
0x2d: {  	s3 =	simm.s32 $0x108;
	s8 =	sld [smem:$0x3FB6]  }
0x2e: {  	s3 =	simm.s32 @!p0 $0x1082;
	s9 =	sld [smem:$0x3FB7]  }
0x2f: {  	lr =	sadd.s32 s0, s3;
	s0 =	sld [smem:$0x3FAE]  }
0x30: {  	s3 =	sld [smem:$0x3FB1]  }
0x31: {  	[smem:$0x3FBA] =	sst s10  }
0x32: {  	s10 =	sld [smem:$0x3FB8];
	_ =	sdelay $0x3  }
0x33: {  	p0 =	seq.s32 s10, $0x1;
	s10 =	sld [smem:$0x3FBA];
	_ =	sdelay $0x3  }
0x34: {  	[smem:$0x3FBA] =	sst s10  }
0x35: {  	s10 =	sld [smem:$0x3FB9];
	_ =	sdelay $0x3  }
0x36: {  	p1 =	seq.s32 s10, $0x1;
	s10 =	sld [smem:$0x3FBA];
	_ =	sdelay $0x3  }
0x37: {  	[smem:$0x3FBA] =	sst s10  }
0x38: {  	s10 =	sld [smem:$0x3FBB]  }
0x39: {  	_ = 	snop;
	(pc) =	sbr.ind lr, $3  }
0x3a: {  	_ = 	snop  }
0x3b: {  	_ = 	snop  }
0x3c: {  	p2 =	seq.s32 s10, $0x1;
	s10 =	sld [smem:$0x3FBA]  }
0x3d: {  	_ =	shalt  }
0x3e: {  	_ =	shalt  }
0x3f: {  	_ =	shalt  }
0x40: {  	_ =	shalt  }
0x41: {  	_ =	shalt  }
0x42: {  	_ =	shalt  }
0x43: {  	_ =	shalt  }
0x44: {  	_ =	shalt  }
0x45: {  	_ =	shalt  }
0x46: {  	_ =	shalt  }
0x47: {  	_ =	shalt  }
0x48: {  	_ =	shalt  }
0x49: {  	_ =	shalt  }
0x4a: {  	_ =	shalt  }
0x4b: {  	_ =	shalt  }
0x4c: {  	_ =	shalt  }
0x4d: {  	_ =	shalt  }
0x4e: {  	_ =	shalt  }
0x4f: {  	_ =	shalt  }
0x50: {  	_ =	shalt  }
0x51: {  	_ =	shalt  }
0x52: {  	_ =	shalt  }
0x53: {  	_ =	shalt  }
0x54: {  	_ =	shalt  }
0x55: {  	_ =	shalt  }
0x56: {  	_ =	shalt  }
0x57: {  	_ =	shalt  }
0x58: {  	_ =	shalt  }
0x59: {  	_ =	shalt  }
0x5a: {  	_ =	shalt  }
0x5b: {  	_ =	shalt  }
0x5c: {  	_ =	shalt  }
0x5d: {  	_ =	shalt  }
0x5e: {  	_ =	shalt  }
0x5f: {  	_ =	shalt  }
0x60: {  	_ =	shalt  }
0x61: {  	_ =	shalt  }
0x62: {  	_ =	shalt  }
0x63: {  	_ =	shalt  }
0x64: {  	_ =	shalt  }
0x65: {  	_ =	shalt  }
0x66: {  	_ =	shalt  }
0x67: {  	_ =	shalt  }
0x68: {  	_ =	shalt  }
0x69: {  	_ =	shalt  }
0x6a: {  	_ =	shalt  }
0x6b: {  	_ =	shalt  }
0x6c: {  	_ =	shalt  }
0x6d: {  	_ =	shalt  }
0x6e: {  	_ =	shalt  }
0x6f: {  	_ =	shalt  }
0x70: {  	_ =	shalt  }
0x71: {  	_ =	shalt  }
0x72: {  	_ =	shalt  }
0x73: {  	_ =	shalt  }
0x74: {  	_ =	shalt  }
0x75: {  	_ =	shalt  }
0x76: {  	_ =	shalt  }
0x77: {  	_ =	shalt  }
0x78: {  	_ =	shalt  }
0x79: {  	_ =	shalt  }
0x7a: {  	_ =	shalt  }
0x7b: {  	_ =	shalt  }
0x7c: {  	_ =	shalt  }
0x7d: {  	_ =	shalt  }
0x7e: {  	_ =	shalt  }
0x7f: {  	_ =	shalt  }
0x80: {  	_ =	shalt  }
0x81: {  	_ =	shalt  }
0x82: {  	_ =	shalt  }
0x83: {  	_ =	shalt  }
0x84: {  	_ =	shalt  }
0x85: {  	_ =	shalt  }
0x86: {  	_ =	shalt  }
0x87: {  	_ =	shalt  }
.Lfunc_end0:
.L_simem_size_0:
called_computation_lowered:
.L_overlay_start_0:
0x88: {  	s2 =	sld [smem:$0x3FD9]  }
0x89: {  	s3 =	sld [smem:$0x3FFE];
	_ =	sdelay $0x1  }
0x8a: {  	s1 =	srdreg.scid  }
0x8b: {  	s0 =	sand.u32 $0x1, s1  }
0x8c: {  	s17 =	sshll.u32 s0, $0xA;
	s2 =	sadd.s32 s3, s2  }
0x8d: {  	s2 =	sadd.s32 s2, s17  }
0x8e: {  	[smem:$0x3FC6] =	sst s2  }
0x8f: {  	_ = 	snop  }
0x90: {  	s2 =	sld [smem:$0x3FC8]  }
0x91: {  	s18 =	sld [smem:$0x3FD0];
	(tm) =	ssettm $0x1  }
0x92: {  	s4 =	sld [smem:$0x3FFB];
	_ =	sdelay $0x3  }
0x93: {  	_ =	strace s4  }
0x94: {  	s4 =	sld [smem:$0x3FFC];
	_ =	sdelay $0x3  }
0x95: {  	_ =	strace s4  }
0x96: {  	s4 =	sld [smem:$0x3FFD];
	_ =	sdelay $0x3  }
0x97: {  	_ =	strace s4  }
0x98: {  	_ =	strace $0x8FFFFFFF  }
0x99: {  	s19 =	sld [smem:$0x3FDB];
	_ =	sdelay $0x1  }
0x9a: {  	s5 =	simm.s32 $_scs_section_size  }
0x9b: {  	s6 =	simm.s32 $_size__tile_overlayer_lowered;
	s7 =	simm.s32 $_tile_overlayer_lowered  }
0x9c: {  	s22 =	simm.s32 $0x1BFF;
	s21 =	sshll.u32 s7, $0x1;
	s4 =	sadd.s32 s5, s19  }
0x9d: {  	s8 =	simm.s32 $0x0;
	s20 =	sshll.u32 s6, $0x1;
	s6 =	sadd.s32 s21, s4  }
0x9e: {  	[timem:s8], [sflag:s22] =	dma.local [hbm:s6], s20  }
0x9f: {  	_ =	swait.ge [sflag:s22], s20  }
0xa0: {  	s5 =	ssub.s32 $0x0, s20;
	[sflag:s22] =	ssyncset.done $0x0  }
0xa1: {  	[sflag:s22] =	ssyncadd.s32 s5;
	_ =	sdelay $0x1  }
0xa2: {  	s23 =	simm.s32 $0x1B8B  }
0xa3: {  	_ =	swait.ge [sflag:s23], $0x1  }
0xa4: {  	[sflag:s23] =	ssyncset.done $0x0  }
0xa5: {  	s25 =	simm.s32 $0x1B8E;
	s24 =	sld [smem:$0x3FFE];
	[sflag:s23] =	ssyncadd.s32 $0xFFFFFFFF  }
0xa6: {  	s26 =	simm.s32 $execute0_lowered;
	[smem:$0x3FD2] =	sst s25  }
0xa7: {  	s6 =	sshll.u32 s26, $0x1;
	_ =	strace $0x80000046;
	[dreg:$0x1] =	wrdreg $0xFFFFFFFF  }
0xa8: {  	s28 =	simm.s32 $_size_execute0_lowered;
	s4 =	sadd.s32 s4, s6;
	[dreg:$0x0] =	wrdreg $0x0  }
0xa9: {  	s6 =	sshll.u32 s28, $0x1;
	[dreg:$0x2] =	wrdreg s4  }
0xaa: {  	[dreg:$0x3] =	wrdreg s6  }
0xab: {  	[dreg:$0x4] =	wrdreg $0xC0  }
0xac: {  	_ =	task [dreg:s8], $0x5FFFF  }
0xad: {  	[dreg:$0x1] =	wrdreg $0xFFFFFFFF  }
0xae: {  	[dreg:$0x0] =	wrdreg $0x60  }
0xaf: {  	[dreg:$0x2] =	wrdreg s2  }
0xb0: {  	[dreg:$0x3] =	wrdreg s24  }
0xb1: {  	[dreg:$0x4] =	wrdreg s18  }
0xb2: {  	[dreg:$0x5] =	wrdreg $0x9  }
0xb3: {  	_ =	task.clear_ibuf [dreg:s8], $0x6FFFF;
	_ =	strace $0x90000046  }
0xb4: {  	s29 =	simm.s32 $0x9;
	_ =	strace $0x80000048  }
0xb5: {  	_ =	swait.ge [sflag:s29], $0x1  }
0xb6: {  	[sflag:s29] =	ssyncadd.s32 $0xFFFFFFFF  }
0xb7: {  	_ =	strace $0x90000048  }
0xb8: {  	_ =	sfence  }
0xb9: {  	s30 =	sld [smem:$0x0];
	_ =	sdelay $0x2  }
0xba: {  	s31 =	sshll.u32 s1, $0xD;
	s1 =	sshrl.u32 s1, $0x2  }
0xbb: {  	s3 =	sand.u32 $0x4000, s31;
	s1 =	sadd.s32 s1, s30  }
0xbc: {  	s0 =	sor.u32 s3, s0;
	s1 =	sshll.u32 s1, $0x11  }
0xbd: {  	s0 =	sor.u32 s1, s0  }
0xbe: {  	s0 =	sadd.s32 $0x8F2B, s0  }
0xbf: {  	[sflag:s0] =	ssyncadd.remote.s32 $0x1  }
0xc0: {  	_ =	sfence.sel $0xFFFF  }
0xc1: {  	[dreg:$0x0] =	wrdreg $0xFFFFFFFF;
	(pc) =	sbr.abs _section_cstart, $3  }
0xc2: {  	[dreg:$0x1] =	wrdreg $0xFFFFFFFF  }
0xc3: {  	_ =	task.clear_ibuf [dreg:s8], $0x2FFFF;
	_ =	strace $0x9FFFFFFF  }
0xc4: {  	(tm) =	ssettm $0x7FFFFFFF  }
0xc5: {  	_ =	shalt  }
tec
execute0_lowered:
.L_overlay_start_1:
0x0: {  	(tag) =	ssettag $0x1  }
0x1: {  	s0 =	srdreg.scid;
	s1 =	rddreg [dreg:$0x0]  }
0x2: {  	s6 =	stileid.u32;
	s4 =	rddreg [dreg:$0x1]  }
0x3: {  	s7 =	rddreg [dreg:$0x2];
	s3 =	simm.s32 $0x0;
	s11 =	simm.s32 $0xB400  }
0x4: {  	s12 =	simm.s32 $0xBC00;
	s13 =	simm.s32 $0xCC00;
	s14 =	simm.s32 $0xD400  }
0x5: {  	s29 =	simm.s32 $0xDC00;
	s30 =	simm.s32 $0xE400;
	s31 =	simm.s32 $0xEC00  }
0x6: {  	s0 =	sand.u32 $0x1, s0;
	s2 =	sshll.u32 s6, $0x1;
	s9 =	smul.u32 $0xC800, s6  }
0x7: {  	s2 =	sor.u32 s0, s2;
	s5 =	ssub.s32 $0x2, s0;
	s0 =	smul.u32 $0x6400, s0  }
0x8: {  	s28 =	simm.s32 $0x1;
	[smem:$0x7FF] =	sst s3;
	s2 =	smul.u32 $0x6400, s2  }
0x9: {  	s6 =	sadd.s32 $0x200, s1;
	_ =	strace $0x80000047;
	s0 =	sadd.s32 s0, s9  }
0xa: {  	s15 =	sshrl.u32 s5, $0x1;
	s2 =	sshrl.u32 s2, $0x3;
	s20 =	sor.u32 $0x80, s0  }
0xb: {  	s21 =	sor.u32 $0xE0, s0;
	s9 =	sor.u32 $0xA0, s0;
	s0 =	sor.u32 $0xC0, s0  }
0xc: {  	s8 =	smul.u32 $0x300, s2;
	s2 =	sadd.s32 s2, s4;
	s4 =	ssub.s32 s5, s15  }
0xd: {  	s5 =	sadd.s32 $0x100, s1;
	s9 =	sshrl.u32 s9, $0x3;
	s2 =	sadd.s32 $0x400, s2  }
0xe: {  	s0 =	sshrl.u32 s0, $0x3;
	s26 =	smax.u32 s4, $0x1;
	[dreg:$0x8] =	wrdreg s2  }
0xf: {  	s15 =	simm.s32 $0x0;
	s10 =	sadd.s32 s7, s8;
	[dreg:$0x11] =	wrdreg s26  }
0x10: {  	s9 =	smul.u32 $0x300, s9;
	s16 =	sadd.s32 $0xC00, s10;
	[dreg:$0x9] =	wrdreg s10  }
0x11: {  	s0 =	smul.u32 $0x300, s0;
	s17 =	sadd.s32 $0x1800, s10;
	[dreg:$0xa] =	wrdreg s16  }
0x12: {  	s4 =	simm.s32 $0x9400;
	s18 =	sadd.s32 $0x2400, s10;
	[dreg:$0xb] =	wrdreg s17  }
0x13: {  	s2 =	sshrl.u32 s20, $0x3;
	s19 =	sadd.s32 $0x255000, s10;
	[dreg:$0xc] =	wrdreg s18  }
0x14: {  	s26 =	simm.s32 $0x7C00;
	s8 =	sadd.s32 $0x255C00, s10;
	[dreg:$0xd] =	wrdreg s19  }
0x15: {  	s20 =	simm.s32 $0x4;
	s23 =	sadd.s32 $0x256800, s10;
	[dreg:$0xe] =	wrdreg s8  }
0x16: {  	s2 =	smul.u32 $0x300, s2;
	s25 =	sadd.s32 $0x257400, s10;
	[dreg:$0xf] =	wrdreg s23  }
0x17: {  	s24 =	sadd.s32 s9, s7;
	s0 =	sadd.s32 s0, s7;
	[dreg:$0x10] =	wrdreg s25  }
0x18: {  	s9 =	simm.s32 $0xA400;
	s10 =	simm.s32 $0xAC00;
	[dreg:$0x6] =	wrdreg s24  }
0x19: {  	s8 =	sshrl.u32 s21, $0x3;
	[dreg:$0x7] =	wrdreg s0;
	s24 =	simm.s32 $0x6C00  }
0x1a: {  	s25 =	simm.s32 $0x7400;
	s0 =	simm.s32 $0x8C00;
	s16 =	simm.s32 $0x5  }
0x1b: {  	s18 =	simm.s32 $0x3;
	s8 =	smul.u32 $0x300, s8;
	s2 =	sadd.s32 s2, s7  }
0x1c: {  	v2 =	vlaneseq.u32;
	s19 =	simm.s32 $0x6;
	s21 =	simm.s32 $0x7;
	[dreg:$0x4] =	wrdreg s2  }
0x1d: {  	vm0 =	vmmov $0xffff;
	v1 =	vshrl.u32 v2, $0x3;
	s2 =	simm.s32 $0x8400;
	s22 =	sadd.s32 s8, s7;
	s8 =	simm.s32 $0x9C00  }
0x1e: {  	v0 =	vand.u32 $0x7, v2;
	v2 =	vor.u32 $0x8, v2;
	v1 =	vmul.u32 $0x8, v1;
	s7 =	simm.s32 $0x2;
	[dreg:$0x5] =	wrdreg s22;
	s22 =	simm.s32 $0x8  }
.LBB2_1:
0x1f: {  	[dreg:$0x12] =	wrdreg s15  }
0x20: {  	s23 =	rddreg [dreg:$0x8];
	s15 =	simm.s32 $0x9  }
0x21: {  	[tilespmem:s3], [sflag:$0x9] =	stream.linear.gather [hbm4b:s23+s3], $0x6400, $0x38;
	[tilespmem:$0x1E400] =	vst v63  }
0x22: {  	_ =	swait.ge [sflag:s15], $0x6400  }
0x23: {  	[sflag:s15] =	ssyncset.done $0x0  }
0x24: {  	[sflag:s15] =	ssyncadd.s32 $0xFFFF9C00  }
0x25: {  	v3 =	vld [tilespmem:$0x0];
	_ =	sdelay $0x4  }
0x26: {  	v4 =	vshrl.u32 v3, $0x3  }
0x27: {  	v4 =	vmul.u32 $0x30, v4  }
0x28: {  	v3 =	vand.u32 $0x7, v3  }
0x29: {  	v3 =	vor.u32 v3, v4  }
0x2a: {  	v4 =	vperm.xlane v3, v0;
	_ =	sdelay $0x1  }
0x2b: {  	v4 =	vadd.s32 v1, v4;
	_ =	sdelay $0x3  }
0x2c: {  	s17 =	simm.s32 $0x6400;
	v3 =	vperm.xlane v3, v2  }
0x2d: {  	[tilespmem:s17], [sflag:$0x1] =	stream.indirect_vreg.gather [hbm4b:s1+s3], $0x80, v4, vm0, $0xb8;
	[tilespmem:$0x1E400] =	vst v63  }
0x2e: {  	v3 =	vadd.s32 v1, v3  }
0x2f: {  	[tilespmem:s24], [sflag:$0x1] =	stream.indirect_vreg.gather [hbm4b:s5+s3], $0x80, v4, vm0, $0xb8;
	[tilespmem:$0x1E400] =	vst v63  }
0x30: {  	_ = 	snop  }
0x31: {  	[tilespmem:s25], [sflag:$0x1] =	stream.indirect_vreg.gather [hbm4b:s6+s3], $0x80, v4, vm0, $0xb8;
	[tilespmem:$0x1E400] =	vst v63  }
0x32: {  	_ = 	snop  }
0x33: {  	[tilespmem:s26], [sflag:$0x1] =	stream.indirect_vreg.gather [hbm4b:s1+s3], $0x80, v3, vm0, $0xb8;
	[tilespmem:$0x1E400] =	vst v63  }
0x34: {  	_ = 	snop  }
0x35: {  	[tilespmem:s2], [sflag:$0x1] =	stream.indirect_vreg.gather [hbm4b:s5+s3], $0x80, v3, vm0, $0xb8;
	[tilespmem:$0x1E400] =	vst v63  }
0x36: {  	_ = 	snop  }
0x37: {  	[tilespmem:s0], [sflag:$0x1] =	stream.indirect_vreg.gather [hbm4b:s6+s3], $0x80, v3, vm0, $0xb8;
	[tilespmem:$0x1E400] =	vst v63  }
0x38: {  	v3 =	vld [tilespmem:$0x10];
	_ =	sdelay $0x4  }
0x39: {  	v51 =	vshrl.u32 v3, $0x3  }
0x3a: {  	v4 =	vmul.u32 $0x30, v51  }
0x3b: {  	v3 =	vand.u32 $0x7, v3  }
0x3c: {  	v3 =	vor.u32 v3, v4  }
0x3d: {  	v4 =	vperm.xlane v3, v0;
	_ =	sdelay $0x1  }
0x3e: {  	v4 =	vadd.s32 v1, v4;
	_ =	sdelay $0x3  }
0x3f: {  	v3 =	vperm.xlane v3, v2  }
0x40: {  	[tilespmem:s4], [sflag:$0x1] =	stream.indirect_vreg.gather [hbm4b:s1+s3], $0x80, v4, vm0, $0xb8;
	[tilespmem:$0x1E400] =	vst v63  }
0x41: {  	v3 =	vadd.s32 v1, v3  }
0x42: {  	[tilespmem:s8], [sflag:$0x1] =	stream.indirect_vreg.gather [hbm4b:s5+s3], $0x80, v4, vm0, $0xb8;
	[tilespmem:$0x1E400] =	vst v63  }
0x43: {  	_ = 	snop  }
0x44: {  	[tilespmem:s9], [sflag:$0x1] =	stream.indirect_vreg.gather [hbm4b:s6+s3], $0x80, v4, vm0, $0xb8;
	[tilespmem:$0x1E400] =	vst v63  }
0x45: {  	_ = 	snop  }
0x46: {  	[tilespmem:s10], [sflag:$0x1] =	stream.indirect_vreg.gather [hbm4b:s1+s3], $0x80, v3, vm0, $0xb8;
	[tilespmem:$0x1E400] =	vst v63  }
0x47: {  	_ = 	snop  }
0x48: {  	[tilespmem:s11], [sflag:$0x1] =	stream.indirect_vreg.gather [hbm4b:s5+s3], $0x80, v3, vm0, $0xb8;
	[tilespmem:$0x1E400] =	vst v63  }
0x49: {  	_ = 	snop  }
0x4a: {  	[tilespmem:s12], [sflag:$0x1] =	stream.indirect_vreg.gather [hbm4b:s6+s3], $0x80, v3, vm0, $0xb8;
	[tilespmem:$0x1E400] =	vst v63  }
0x4b: {  	v3 =	vld [tilespmem:$0x20];
	_ =	sdelay $0x4  }
0x4c: {  	v52 =	vshrl.u32 v3, $0x3  }
0x4d: {  	v4 =	vmul.u32 $0x30, v52  }
0x4e: {  	v3 =	vand.u32 $0x7, v3  }
0x4f: {  	v3 =	vor.u32 v3, v4  }
0x50: {  	v4 =	vperm.xlane v3, v0;
	_ =	sdelay $0x1  }
0x51: {  	v4 =	vadd.s32 v1, v4;
	_ =	sdelay $0x3  }
0x52: {  	s15 =	simm.s32 $0xC400;
	v3 =	vperm.xlane v3, v2  }
0x53: {  	[tilespmem:s15], [sflag:$0x2] =	stream.indirect_vreg.gather [hbm4b:s1+s3], $0x80, v4, vm0, $0xb8;
	[tilespmem:$0x1E400] =	vst v63  }
0x54: {  	v3 =	vadd.s32 v1, v3  }
0x55: {  	[tilespmem:s13], [sflag:$0x2] =	stream.indirect_vreg.gather [hbm4b:s5+s3], $0x80, v4, vm0, $0xb8;
	[tilespmem:$0x1E400] =	vst v63  }
0x56: {  	_ = 	snop  }
0x57: {  	[tilespmem:s14], [sflag:$0x2] =	stream.indirect_vreg.gather [hbm4b:s6+s3], $0x80, v4, vm0, $0xb8;
	[tilespmem:$0x1E400] =	vst v63  }
0x58: {  	_ = 	snop  }
0x59: {  	[tilespmem:s29], [sflag:$0x2] =	stream.indirect_vreg.gather [hbm4b:s1+s3], $0x80, v3, vm0, $0xb8;
	[tilespmem:$0x1E400] =	vst v63  }
0x5a: {  	_ = 	snop  }
0x5b: {  	[tilespmem:s30], [sflag:$0x2] =	stream.indirect_vreg.gather [hbm4b:s5+s3], $0x80, v3, vm0, $0xb8;
	[tilespmem:$0x1E400] =	vst v63  }
0x5c: {  	_ = 	snop  }
0x5d: {  	[tilespmem:s31], [sflag:$0x2] =	stream.indirect_vreg.gather [hbm4b:s6+s3], $0x80, v3, vm0, $0xb8;
	[tilespmem:$0x1E400] =	vst v63  }
0x5e: {  	v3 =	vld [tilespmem:$0x30];
	_ =	sdelay $0x4  }
0x5f: {  	v53 =	vshrl.u32 v3, $0x3  }
0x60: {  	v4 =	vmul.u32 $0x30, v53  }
0x61: {  	v3 =	vand.u32 $0x7, v3  }
0x62: {  	v3 =	vor.u32 v3, v4  }
0x63: {  	v4 =	vperm.xlane v3, v0;
	_ =	sdelay $0x1  }
0x64: {  	v4 =	vadd.s32 v1, v4;
	_ =	sdelay $0x3  }
0x65: {  	s23 =	simm.s32 $0xF400;
	v3 =	vperm.xlane v3, v2  }
0x66: {  	[tilespmem:s23], [sflag:$0x2] =	stream.indirect_vreg.gather [hbm4b:s1+s3], $0x80, v4, vm0, $0xb8;
	[tilespmem:$0x1E400] =	vst v63  }
0x67: {  	v3 =	vadd.s32 v1, v3;
	s23 =	simm.s32 $0xFC00  }
0x68: {  	[tilespmem:s23], [sflag:$0x2] =	stream.indirect_vreg.gather [hbm4b:s5+s3], $0x80, v4, vm0, $0xb8;
	[tilespmem:$0x1E400] =	vst v63  }
0x69: {  	s23 =	simm.s32 $0x10400  }
0x6a: {  	[tilespmem:s23], [sflag:$0x2] =	stream.indirect_vreg.gather [hbm4b:s6+s3], $0x80, v4, vm0, $0xb8;
	[tilespmem:$0x1E400] =	vst v63  }
0x6b: {  	s23 =	simm.s32 $0x10C00  }
0x6c: {  	[tilespmem:s23], [sflag:$0x2] =	stream.indirect_vreg.gather [hbm4b:s1+s3], $0x80, v3, vm0, $0xb8;
	[tilespmem:$0x1E400] =	vst v63  }
0x6d: {  	s23 =	simm.s32 $0x11400  }
0x6e: {  	[tilespmem:s23], [sflag:$0x2] =	stream.indirect_vreg.gather [hbm4b:s5+s3], $0x80, v3, vm0, $0xb8;
	[tilespmem:$0x1E400] =	vst v63  }
0x6f: {  	s23 =	simm.s32 $0x11C00  }
0x70: {  	[tilespmem:s23], [sflag:$0x2] =	stream.indirect_vreg.gather [hbm4b:s6+s3], $0x80, v3, vm0, $0xb8;
	[tilespmem:$0x1E400] =	vst v63  }
0x71: {  	v3 =	vld [tilespmem:$0x40];
	_ =	sdelay $0x4  }
0x72: {  	v54 =	vshrl.u32 v3, $0x3  }
0x73: {  	v4 =	vmul.u32 $0x30, v54  }
0x74: {  	v3 =	vand.u32 $0x7, v3  }
0x75: {  	v3 =	vor.u32 v3, v4  }
0x76: {  	v4 =	vperm.xlane v3, v0;
	_ =	sdelay $0x1  }
0x77: {  	v4 =	vadd.s32 v1, v4;
	_ =	sdelay $0x3  }
0x78: {  	s23 =	simm.s32 $0x12400;
	v3 =	vperm.xlane v3, v2  }
0x79: {  	[tilespmem:s23], [sflag:$0x3] =	stream.indirect_vreg.gather [hbm4b:s1+s3], $0x80, v4, vm0, $0xb8;
	[tilespmem:$0x1E400] =	vst v63  }
0x7a: {  	v3 =	vadd.s32 v1, v3;
	s23 =	simm.s32 $0x12C00  }
0x7b: {  	[tilespmem:s23], [sflag:$0x3] =	stream.indirect_vreg.gather [hbm4b:s5+s3], $0x80, v4, vm0, $0xb8;
	[tilespmem:$0x1E400] =	vst v63  }
0x7c: {  	s23 =	simm.s32 $0x13400  }
0x7d: {  	[tilespmem:s23], [sflag:$0x3] =	stream.indirect_vreg.gather [hbm4b:s6+s3], $0x80, v4, vm0, $0xb8;
	[tilespmem:$0x1E400] =	vst v63  }
0x7e: {  	s23 =	simm.s32 $0x13C00  }
0x7f: {  	[tilespmem:s23], [sflag:$0x3] =	stream.indirect_vreg.gather [hbm4b:s1+s3], $0x80, v3, vm0, $0xb8;
	[tilespmem:$0x1E400] =	vst v63  }
0x80: {  	s23 =	simm.s32 $0x14400  }
0x81: {  	[tilespmem:s23], [sflag:$0x3] =	stream.indirect_vreg.gather [hbm4b:s5+s3], $0x80, v3, vm0, $0xb8;
	[tilespmem:$0x1E400] =	vst v63  }
0x82: {  	s23 =	simm.s32 $0x14C00  }
0x83: {  	[tilespmem:s23], [sflag:$0x3] =	stream.indirect_vreg.gather [hbm4b:s6+s3], $0x80, v3, vm0, $0xb8;
	[tilespmem:$0x1E400] =	vst v63  }
0x84: {  	v3 =	vld [tilespmem:$0x50];
	_ =	sdelay $0x4  }
0x85: {  	v55 =	vshrl.u32 v3, $0x3  }
0x86: {  	v4 =	vmul.u32 $0x30, v55  }
0x87: {  	v3 =	vand.u32 $0x7, v3  }
0x88: {  	v3 =	vor.u32 v3, v4  }
0x89: {  	v4 =	vperm.xlane v3, v0;
	_ =	sdelay $0x1  }
0x8a: {  	v4 =	vadd.s32 v1, v4;
	_ =	sdelay $0x3  }
0x8b: {  	s23 =	simm.s32 $0x15400;
	v3 =	vperm.xlane v3, v2  }
0x8c: {  	[tilespmem:s23], [sflag:$0x3] =	stream.indirect_vreg.gather [hbm4b:s1+s3], $0x80, v4, vm0, $0xb8;
	[tilespmem:$0x1E400] =	vst v63  }
0x8d: {  	v3 =	vadd.s32 v1, v3;
	s23 =	simm.s32 $0x15C00  }
0x8e: {  	[tilespmem:s23], [sflag:$0x3] =	stream.indirect_vreg.gather [hbm4b:s5+s3], $0x80, v4, vm0, $0xb8;
	[tilespmem:$0x1E400] =	vst v63  }
0x8f: {  	s23 =	simm.s32 $0x16400  }
0x90: {  	[tilespmem:s23], [sflag:$0x3] =	stream.indirect_vreg.gather [hbm4b:s6+s3], $0x80, v4, vm0, $0xb8;
	[tilespmem:$0x1E400] =	vst v63  }
0x91: {  	s23 =	simm.s32 $0x16C00  }
0x92: {  	[tilespmem:s23], [sflag:$0x3] =	stream.indirect_vreg.gather [hbm4b:s1+s3], $0x80, v3, vm0, $0xb8;
	[tilespmem:$0x1E400] =	vst v63  }
0x93: {  	s23 =	simm.s32 $0x17400  }
0x94: {  	[tilespmem:s23], [sflag:$0x3] =	stream.indirect_vreg.gather [hbm4b:s5+s3], $0x80, v3, vm0, $0xb8;
	[tilespmem:$0x1E400] =	vst v63  }
0x95: {  	s23 =	simm.s32 $0x17C00  }
0x96: {  	[tilespmem:s23], [sflag:$0x3] =	stream.indirect_vreg.gather [hbm4b:s6+s3], $0x80, v3, vm0, $0xb8;
	[tilespmem:$0x1E400] =	vst v63  }
0x97: {  	_ =	swait.ge [sflag:s28], $0x6000  }
0x98: {  	[sflag:s28] =	ssyncset.done $0x0  }
0x99: {  	s23 =	rddreg [dreg:$0x9];
	[sflag:s28] =	ssyncadd.s32 $0xFFFFA000  }
0x9a: {  	[hbm4b:s23+s3] =	stream.linear.scatter [tilespmem:s17], [sflag:$0x5], $0x6000, $0x38;
	[tilespmem:$0x1E400] =	vst v63  }
0x9b: {  	v3 =	vld [tilespmem:$0x60];
	_ =	sdelay $0x4  }
0x9c: {  	v56 =	vshrl.u32 v3, $0x3  }
0x9d: {  	v4 =	vmul.u32 $0x30, v56  }
0x9e: {  	v3 =	vand.u32 $0x7, v3  }
0x9f: {  	v3 =	vor.u32 v3, v4  }
0xa0: {  	v4 =	vperm.xlane v3, v0;
	_ =	sdelay $0x1  }
0xa1: {  	v4 =	vadd.s32 v1, v4;
	_ =	sdelay $0x3  }
0xa2: {  	s23 =	simm.s32 $0x18400;
	v3 =	vperm.xlane v3, v2  }
0xa3: {  	[tilespmem:s23], [sflag:$0x4] =	stream.indirect_vreg.gather [hbm4b:s1+s3], $0x80, v4, vm0, $0xb8;
	[tilespmem:$0x1E400] =	vst v63  }
0xa4: {  	v3 =	vadd.s32 v1, v3;
	s23 =	simm.s32 $0x18C00  }
0xa5: {  	[tilespmem:s23], [sflag:$0x4] =	stream.indirect_vreg.gather [hbm4b:s5+s3], $0x80, v4, vm0, $0xb8;
	[tilespmem:$0x1E400] =	vst v63  }
0xa6: {  	s23 =	simm.s32 $0x19400  }
0xa7: {  	[tilespmem:s23], [sflag:$0x4] =	stream.indirect_vreg.gather [hbm4b:s6+s3], $0x80, v4, vm0, $0xb8;
	[tilespmem:$0x1E400] =	vst v63  }
0xa8: {  	s23 =	simm.s32 $0x19C00  }
0xa9: {  	[tilespmem:s23], [sflag:$0x4] =	stream.indirect_vreg.gather [hbm4b:s1+s3], $0x80, v3, vm0, $0xb8;
	[tilespmem:$0x1E400] =	vst v63  }
0xaa: {  	s23 =	simm.s32 $0x1A400  }
0xab: {  	[tilespmem:s23], [sflag:$0x4] =	stream.indirect_vreg.gather [hbm4b:s5+s3], $0x80, v3, vm0, $0xb8;
	[tilespmem:$0x1E400] =	vst v63  }
0xac: {  	s23 =	simm.s32 $0x1AC00  }
0xad: {  	[tilespmem:s23], [sflag:$0x4] =	stream.indirect_vreg.gather [hbm4b:s6+s3], $0x80, v3, vm0, $0xb8;
	[tilespmem:$0x1E400] =	vst v63  }
0xae: {  	v3 =	vld [tilespmem:$0x70];
	_ =	sdelay $0x4  }
0xaf: {  	v57 =	vshrl.u32 v3, $0x3  }
0xb0: {  	v4 =	vmul.u32 $0x30, v57  }
0xb1: {  	v3 =	vand.u32 $0x7, v3  }
0xb2: {  	v3 =	vor.u32 v3, v4  }
0xb3: {  	v4 =	vperm.xlane v3, v0;
	_ =	sdelay $0x1  }
0xb4: {  	v4 =	vadd.s32 v1, v4;
	_ =	sdelay $0x3  }
0xb5: {  	s23 =	simm.s32 $0x1B400;
	v3 =	vperm.xlane v3, v2  }
0xb6: {  	[tilespmem:s23], [sflag:$0x4] =	stream.indirect_vreg.gather [hbm4b:s1+s3], $0x80, v4, vm0, $0xb8;
	[tilespmem:$0x1E400] =	vst v63  }
0xb7: {  	v3 =	vadd.s32 v1, v3;
	s23 =	simm.s32 $0x1BC00  }
0xb8: {  	[tilespmem:s23], [sflag:$0x4] =	stream.indirect_vreg.gather [hbm4b:s5+s3], $0x80, v4, vm0, $0xb8;
	[tilespmem:$0x1E400] =	vst v63  }
0xb9: {  	s23 =	simm.s32 $0x1C400  }
0xba: {  	[tilespmem:s23], [sflag:$0x4] =	stream.indirect_vreg.gather [hbm4b:s6+s3], $0x80, v4, vm0, $0xb8;
	[tilespmem:$0x1E400] =	vst v63  }
0xbb: {  	s23 =	simm.s32 $0x1CC00  }
0xbc: {  	[tilespmem:s23], [sflag:$0x4] =	stream.indirect_vreg.gather [hbm4b:s1+s3], $0x80, v3, vm0, $0xb8;
	[tilespmem:$0x1E400] =	vst v63  }
0xbd: {  	s23 =	simm.s32 $0x1D400  }
0xbe: {  	[tilespmem:s23], [sflag:$0x4] =	stream.indirect_vreg.gather [hbm4b:s5+s3], $0x80, v3, vm0, $0xb8;
	[tilespmem:$0x1E400] =	vst v63  }
0xbf: {  	s23 =	simm.s32 $0x1DC00  }
0xc0: {  	[tilespmem:s23], [sflag:$0x4] =	stream.indirect_vreg.gather [hbm4b:s6+s3], $0x80, v3, vm0, $0xb8;
	[tilespmem:$0x1E400] =	vst v63  }
0xc1: {  	_ =	swait.ge [sflag:s7], $0x6000  }
0xc2: {  	[sflag:s7] =	ssyncset.done $0x0  }
0xc3: {  	s23 =	rddreg [dreg:$0xa];
	[sflag:s7] =	ssyncadd.s32 $0xFFFFA000  }
0xc4: {  	[hbm4b:s23+s3] =	stream.linear.scatter [tilespmem:s15], [sflag:$0x6], $0x6000, $0x38;
	[tilespmem:$0x1E400] =	vst v63  }
0xc5: {  	_ =	swait.ge [sflag:s16], $0x6000  }
0xc6: {  	[sflag:s16] =	ssyncset.done $0x0  }
0xc7: {  	[sflag:s16] =	ssyncadd.s32 $0xFFFFA000  }
0xc8: {  	v3 =	vld [tilespmem:$0x80];
	_ =	sdelay $0x4  }
0xc9: {  	v58 =	vshrl.u32 v3, $0x3  }
0xca: {  	v4 =	vmul.u32 $0x30, v58  }
0xcb: {  	v3 =	vand.u32 $0x7, v3  }
0xcc: {  	v3 =	vor.u32 v3, v4  }
0xcd: {  	v4 =	vperm.xlane v3, v0;
	_ =	sdelay $0x1  }
0xce: {  	v4 =	vadd.s32 v1, v4;
	_ =	sdelay $0x3  }
0xcf: {  	v3 =	vperm.xlane v3, v2  }
0xd0: {  	[tilespmem:s17], [sflag:$0x1] =	stream.indirect_vreg.gather [hbm4b:s1+s3], $0x80, v4, vm0, $0xb8;
	[tilespmem:$0x1E400] =	vst v63  }
0xd1: {  	v3 =	vadd.s32 v1, v3  }
0xd2: {  	[tilespmem:s24], [sflag:$0x1] =	stream.indirect_vreg.gather [hbm4b:s5+s3], $0x80, v4, vm0, $0xb8;
	[tilespmem:$0x1E400] =	vst v63  }
0xd3: {  	_ = 	snop  }
0xd4: {  	[tilespmem:s25], [sflag:$0x1] =	stream.indirect_vreg.gather [hbm4b:s6+s3], $0x80, v4, vm0, $0xb8;
	[tilespmem:$0x1E400] =	vst v63  }
0xd5: {  	_ = 	snop  }
0xd6: {  	[tilespmem:s26], [sflag:$0x1] =	stream.indirect_vreg.gather [hbm4b:s1+s3], $0x80, v3, vm0, $0xb8;
	[tilespmem:$0x1E400] =	vst v63  }
0xd7: {  	_ = 	snop  }
0xd8: {  	[tilespmem:s2], [sflag:$0x1] =	stream.indirect_vreg.gather [hbm4b:s5+s3], $0x80, v3, vm0, $0xb8;
	[tilespmem:$0x1E400] =	vst v63  }
0xd9: {  	_ = 	snop  }
0xda: {  	[tilespmem:s0], [sflag:$0x1] =	stream.indirect_vreg.gather [hbm4b:s6+s3], $0x80, v3, vm0, $0xb8;
	[tilespmem:$0x1E400] =	vst v63  }
0xdb: {  	v3 =	vld [tilespmem:$0x90];
	_ =	sdelay $0x4  }
0xdc: {  	v59 =	vshrl.u32 v3, $0x3  }
0xdd: {  	v4 =	vmul.u32 $0x30, v59  }
0xde: {  	v3 =	vand.u32 $0x7, v3  }
0xdf: {  	v3 =	vor.u32 v3, v4  }
0xe0: {  	v4 =	vperm.xlane v3, v0;
	_ =	sdelay $0x1  }
0xe1: {  	v4 =	vadd.s32 v1, v4;
	_ =	sdelay $0x3  }
0xe2: {  	v3 =	vperm.xlane v3, v2  }
0xe3: {  	[tilespmem:s4], [sflag:$0x1] =	stream.indirect_vreg.gather [hbm4b:s1+s3], $0x80, v4, vm0, $0xb8;
	[tilespmem:$0x1E400] =	vst v63  }
0xe4: {  	v3 =	vadd.s32 v1, v3  }
0xe5: {  	[tilespmem:s8], [sflag:$0x1] =	stream.indirect_vreg.gather [hbm4b:s5+s3], $0x80, v4, vm0, $0xb8;
	[tilespmem:$0x1E400] =	vst v63  }
0xe6: {  	_ = 	snop  }
0xe7: {  	[tilespmem:s9], [sflag:$0x1] =	stream.indirect_vreg.gather [hbm4b:s6+s3], $0x80, v4, vm0, $0xb8;
	[tilespmem:$0x1E400] =	vst v63  }
0xe8: {  	_ = 	snop  }
0xe9: {  	[tilespmem:s10], [sflag:$0x1] =	stream.indirect_vreg.gather [hbm4b:s1+s3], $0x80, v3, vm0, $0xb8;
	[tilespmem:$0x1E400] =	vst v63  }
0xea: {  	_ = 	snop  }
0xeb: {  	[tilespmem:s11], [sflag:$0x1] =	stream.indirect_vreg.gather [hbm4b:s5+s3], $0x80, v3, vm0, $0xb8;
	[tilespmem:$0x1E400] =	vst v63  }
0xec: {  	_ = 	snop  }
0xed: {  	[tilespmem:s12], [sflag:$0x1] =	stream.indirect_vreg.gather [hbm4b:s6+s3], $0x80, v3, vm0, $0xb8;
	[tilespmem:$0x1E400] =	vst v63  }
0xee: {  	_ =	swait.ge [sflag:s18], $0x6000  }
0xef: {  	[sflag:s18] =	ssyncset.done $0x0  }
0xf0: {  	s24 =	simm.s32 $0x12400;
	s17 =	rddreg [dreg:$0xb];
	[sflag:s18] =	ssyncadd.s32 $0xFFFFA000  }
0xf1: {  	[hbm4b:s17+s3] =	stream.linear.scatter [tilespmem:s24], [sflag:$0x7], $0x6000, $0x38;
	[tilespmem:$0x1E400] =	vst v63  }
0xf2: {  	_ =	swait.ge [sflag:s19], $0x6000  }
0xf3: {  	[sflag:s19] =	ssyncset.done $0x0  }
0xf4: {  	[sflag:s19] =	ssyncadd.s32 $0xFFFFA000  }
0xf5: {  	v3 =	vld [tilespmem:$0xA0];
	_ =	sdelay $0x4  }
0xf6: {  	v60 =	vshrl.u32 v3, $0x3  }
0xf7: {  	v4 =	vmul.u32 $0x30, v60  }
0xf8: {  	v3 =	vand.u32 $0x7, v3  }
0xf9: {  	v3 =	vor.u32 v3, v4  }
0xfa: {  	v4 =	vperm.xlane v3, v0;
	_ =	sdelay $0x1  }
0xfb: {  	v4 =	vadd.s32 v1, v4;
	_ =	sdelay $0x3  }
0xfc: {  	v3 =	vperm.xlane v3, v2  }
0xfd: {  	[tilespmem:s15], [sflag:$0x2] =	stream.indirect_vreg.gather [hbm4b:s1+s3], $0x80, v4, vm0, $0xb8;
	[tilespmem:$0x1E400] =	vst v63  }
0xfe: {  	v3 =	vadd.s32 v1, v3  }
0xff: {  	[tilespmem:s13], [sflag:$0x2] =	stream.indirect_vreg.gather [hbm4b:s5+s3], $0x80, v4, vm0, $0xb8;
	[tilespmem:$0x1E400] =	vst v63  }
0x100: {  	_ = 	snop  }
0x101: {  	[tilespmem:s14], [sflag:$0x2] =	stream.indirect_vreg.gather [hbm4b:s6+s3], $0x80, v4, vm0, $0xb8;
	[tilespmem:$0x1E400] =	vst v63  }
0x102: {  	_ = 	snop  }
0x103: {  	[tilespmem:s29], [sflag:$0x2] =	stream.indirect_vreg.gather [hbm4b:s1+s3], $0x80, v3, vm0, $0xb8;
	[tilespmem:$0x1E400] =	vst v63  }
0x104: {  	_ = 	snop  }
0x105: {  	[tilespmem:s30], [sflag:$0x2] =	stream.indirect_vreg.gather [hbm4b:s5+s3], $0x80, v3, vm0, $0xb8;
	[tilespmem:$0x1E400] =	vst v63  }
0x106: {  	_ = 	snop  }
0x107: {  	[tilespmem:s31], [sflag:$0x2] =	stream.indirect_vreg.gather [hbm4b:s6+s3], $0x80, v3, vm0, $0xb8;
	[tilespmem:$0x1E400] =	vst v63  }
0x108: {  	v3 =	vld [tilespmem:$0xB0];
	_ =	sdelay $0x4  }
0x109: {  	v61 =	vshrl.u32 v3, $0x3  }
0x10a: {  	v4 =	vmul.u32 $0x30, v61  }
0x10b: {  	v3 =	vand.u32 $0x7, v3  }
0x10c: {  	v3 =	vor.u32 v3, v4  }
0x10d: {  	v4 =	vperm.xlane v3, v0;
	_ =	sdelay $0x1  }
0x10e: {  	v4 =	vadd.s32 v1, v4;
	_ =	sdelay $0x3  }
0x10f: {  	s26 =	simm.s32 $0xF400;
	v3 =	vperm.xlane v3, v2  }
0x110: {  	[tilespmem:s26], [sflag:$0x2] =	stream.indirect_vreg.gather [hbm4b:s1+s3], $0x80, v4, vm0, $0xb8;
	[tilespmem:$0x1E400] =	vst v63  }
0x111: {  	s29 =	simm.s32 $0xFC00;
	v3 =	vadd.s32 v1, v3  }
0x112: {  	[tilespmem:s29], [sflag:$0x2] =	stream.indirect_vreg.gather [hbm4b:s5+s3], $0x80, v4, vm0, $0xb8;
	[tilespmem:$0x1E400] =	vst v63  }
0x113: {  	s30 =	simm.s32 $0x10400  }
0x114: {  	[tilespmem:s30], [sflag:$0x2] =	stream.indirect_vreg.gather [hbm4b:s6+s3], $0x80, v4, vm0, $0xb8;
	[tilespmem:$0x1E400] =	vst v63  }
0x115: {  	s4 =	simm.s32 $0x10C00  }
0x116: {  	[tilespmem:s4], [sflag:$0x2] =	stream.indirect_vreg.gather [hbm4b:s1+s3], $0x80, v3, vm0, $0xb8;
	[tilespmem:$0x1E400] =	vst v63  }
0x117: {  	s8 =	simm.s32 $0x11400  }
0x118: {  	[tilespmem:s8], [sflag:$0x2] =	stream.indirect_vreg.gather [hbm4b:s5+s3], $0x80, v3, vm0, $0xb8;
	[tilespmem:$0x1E400] =	vst v63  }
0x119: {  	s9 =	simm.s32 $0x11C00  }
0x11a: {  	[tilespmem:s9], [sflag:$0x2] =	stream.indirect_vreg.gather [hbm4b:s6+s3], $0x80, v3, vm0, $0xb8;
	[tilespmem:$0x1E400] =	vst v63  }
0x11b: {  	_ =	swait.ge [sflag:s20], $0x6000  }
0x11c: {  	[sflag:s20] =	ssyncset.done $0x0  }
0x11d: {  	s11 =	simm.s32 $0x18400;
	s10 =	rddreg [dreg:$0xc];
	[sflag:s20] =	ssyncadd.s32 $0xFFFFA000  }
0x11e: {  	[hbm4b:s10+s3] =	stream.linear.scatter [tilespmem:s11], [sflag:$0x8], $0x6000, $0x38;
	[tilespmem:$0x1E400] =	vst v63  }
0x11f: {  	_ =	swait.ge [sflag:s21], $0x6000  }
0x120: {  	[sflag:s21] =	ssyncset.done $0x0  }
0x121: {  	[sflag:s21] =	ssyncadd.s32 $0xFFFFA000  }
0x122: {  	v3 =	vld [tilespmem:$0xC0];
	_ =	sdelay $0x4  }
0x123: {  	v62 =	vshrl.u32 v3, $0x3  }
0x124: {  	v4 =	vmul.u32 $0x30, v62  }
0x125: {  	v3 =	vand.u32 $0x7, v3  }
0x126: {  	v3 =	vor.u32 v3, v4  }
0x127: {  	v4 =	vperm.xlane v3, v0;
	_ =	sdelay $0x1  }
0x128: {  	v4 =	vadd.s32 v1, v4;
	_ =	sdelay $0x3  }
0x129: {  	s25 =	simm.s32 $0x12400;
	v3 =	vperm.xlane v3, v2  }
0x12a: {  	[tilespmem:s25], [sflag:$0x3] =	stream.indirect_vreg.gather [hbm4b:s1+s3], $0x80, v4, vm0, $0xb8;
	[tilespmem:$0x1E400] =	vst v63  }
0x12b: {  	s12 =	simm.s32 $0x12C00;
	v3 =	vadd.s32 v1, v3  }
0x12c: {  	[tilespmem:s12], [sflag:$0x3] =	stream.indirect_vreg.gather [hbm4b:s5+s3], $0x80, v4, vm0, $0xb8;
	[tilespmem:$0x1E400] =	vst v63  }
0x12d: {  	s13 =	simm.s32 $0x13400  }
0x12e: {  	[tilespmem:s13], [sflag:$0x3] =	stream.indirect_vreg.gather [hbm4b:s6+s3], $0x80, v4, vm0, $0xb8;
	[tilespmem:$0x1E400] =	vst v63  }
0x12f: {  	s14 =	simm.s32 $0x13C00  }
0x130: {  	[tilespmem:s14], [sflag:$0x3] =	stream.indirect_vreg.gather [hbm4b:s1+s3], $0x80, v3, vm0, $0xb8;
	[tilespmem:$0x1E400] =	vst v63  }
0x131: {  	s15 =	simm.s32 $0x14400  }
0x132: {  	[tilespmem:s15], [sflag:$0x3] =	stream.indirect_vreg.gather [hbm4b:s5+s3], $0x80, v3, vm0, $0xb8;
	[tilespmem:$0x1E400] =	vst v63  }
0x133: {  	s17 =	simm.s32 $0x14C00  }
0x134: {  	[tilespmem:s17], [sflag:$0x3] =	stream.indirect_vreg.gather [hbm4b:s6+s3], $0x80, v3, vm0, $0xb8;
	[tilespmem:$0x1E400] =	vst v63  }
0x135: {  	v3 =	vld [tilespmem:$0xD0];
	_ =	sdelay $0x4  }
0x136: {  	v63 =	vshrl.u32 v3, $0x3  }
0x137: {  	v4 =	vmul.u32 $0x30, v63  }
0x138: {  	v3 =	vand.u32 $0x7, v3  }
0x139: {  	v3 =	vor.u32 v3, v4  }
0x13a: {  	v4 =	vperm.xlane v3, v0;
	_ =	sdelay $0x1  }
0x13b: {  	v4 =	vadd.s32 v1, v4;
	_ =	sdelay $0x2  }
0x13c: {  	s23 =	simm.s32 $0x15400  }
0x13d: {  	s2 =	simm.s32 $0xE400;
	s0 =	simm.s32 $0x8400;
	s24 =	simm.s32 $0x15C00;
	v3 =	vperm.xlane v3, v2  }
0x13e: {  	[tilespmem:s23], [sflag:$0x3] =	stream.indirect_vreg.gather [hbm4b:s1+s3], $0x80, v4, vm0, $0xb8;
	[tilespmem:$0x1E400] =	vst v63  }
0x13f: {  	s31 =	simm.s32 $0x7400;
	s26 =	simm.s32 $0x16C00;
	s29 =	simm.s32 $0x17400;
	v3 =	vadd.s32 v1, v3  }
0x140: {  	[tilespmem:s24], [sflag:$0x3] =	stream.indirect_vreg.gather [hbm4b:s5+s3], $0x80, v4, vm0, $0xb8;
	[tilespmem:$0x1E400] =	vst v63  }
0x141: {  	s30 =	simm.s32 $0x17C00;
	s4 =	simm.s32 $0xEC00;
	s25 =	simm.s32 $0x16400  }
0x142: {  	[tilespmem:s25], [sflag:$0x3] =	stream.indirect_vreg.gather [hbm4b:s6+s3], $0x80, v4, vm0, $0xb8;
	[tilespmem:$0x1E400] =	vst v63  }
0x143: {  	s8 =	simm.s32 $0x9400;
	s10 =	simm.s32 $0xA400;
	s12 =	simm.s32 $0xB400  }
0x144: {  	[tilespmem:s26], [sflag:$0x3] =	stream.indirect_vreg.gather [hbm4b:s1+s3], $0x80, v3, vm0, $0xb8;
	[tilespmem:$0x1E400] =	vst v63  }
0x145: {  	s13 =	simm.s32 $0xBC00;
	s14 =	simm.s32 $0xCC00;
	s17 =	simm.s32 $0xD400  }
0x146: {  	[tilespmem:s29], [sflag:$0x3] =	stream.indirect_vreg.gather [hbm4b:s5+s3], $0x80, v3, vm0, $0xb8;
	[tilespmem:$0x1E400] =	vst v63  }
0x147: {  	s23 =	simm.s32 $0x150;
	s24 =	simm.s32 $0x0;
	s26 =	simm.s32 $0x6C00  }
0x148: {  	[tilespmem:s30], [sflag:$0x3] =	stream.indirect_vreg.gather [hbm4b:s6+s3], $0x80, v3, vm0, $0xb8;
	[tilespmem:$0x1E400] =	vst v63  }
.LBB2_2:
0x149: {  	_ =	swait.ge [sflag:s28], $0x6000  }
0x14a: {  	s25 =	rddreg [dreg:$0x4];
	[sflag:s28] =	ssyncset.done $0x0  }
0x14b: {  	s15 =	simm.s32 $0x6400;
	[sflag:s28] =	ssyncadd.s32 $0xFFFFA000;
	s25 =	sadd.s32 s24, s25  }
0x14c: {  	[hbm4b:s25+s3] =	stream.linear.scatter [tilespmem:s15], [sflag:$0x5], $0x6000, $0x38;
	[tilespmem:$0x1E400] =	vst v63  }
0x14d: {  	_ =	swait.ge [sflag:s22], $0x6000  }
0x14e: {  	[sflag:s22] =	ssyncset.done $0x0  }
0x14f: {  	[sflag:s22] =	ssyncadd.s32 $0xFFFFA000  }
0x150: {  	v3 =	vld [tilespmem:s23+$0xFFFFFF90];
	_ =	sdelay $0x4  }
0x151: {  	v4 =	vshrl.u32 v3, $0x3  }
0x152: {  	v4 =	vmul.u32 $0x30, v4  }
0x153: {  	v3 =	vand.u32 $0x7, v3  }
0x154: {  	v3 =	vor.u32 v3, v4  }
0x155: {  	v4 =	vperm.xlane v3, v0;
	_ =	sdelay $0x1  }
0x156: {  	v4 =	vadd.s32 v1, v4;
	_ =	sdelay $0x3  }
0x157: {  	s11 =	simm.s32 $0x18400;
	v3 =	vperm.xlane v3, v2  }
0x158: {  	[tilespmem:s11], [sflag:$0x4] =	stream.indirect_vreg.gather [hbm4b:s1+s3], $0x80, v4, vm0, $0xb8;
	[tilespmem:$0x1E400] =	vst v63  }
0x159: {  	s9 =	simm.s32 $0x18C00;
	v3 =	vadd.s32 v1, v3  }
0x15a: {  	[tilespmem:s9], [sflag:$0x4] =	stream.indirect_vreg.gather [hbm4b:s5+s3], $0x80, v4, vm0, $0xb8;
	[tilespmem:$0x1E400] =	vst v63  }
0x15b: {  	s25 =	simm.s32 $0x19400  }
0x15c: {  	[tilespmem:s25], [sflag:$0x4] =	stream.indirect_vreg.gather [hbm4b:s6+s3], $0x80, v4, vm0, $0xb8;
	[tilespmem:$0x1E400] =	vst v63  }
0x15d: {  	s25 =	simm.s32 $0x19C00  }
0x15e: {  	[tilespmem:s25], [sflag:$0x4] =	stream.indirect_vreg.gather [hbm4b:s1+s3], $0x80, v3, vm0, $0xb8;
	[tilespmem:$0x1E400] =	vst v63  }
0x15f: {  	s25 =	simm.s32 $0x1A400  }
0x160: {  	[tilespmem:s25], [sflag:$0x4] =	stream.indirect_vreg.gather [hbm4b:s5+s3], $0x80, v3, vm0, $0xb8;
	[tilespmem:$0x1E400] =	vst v63  }
0x161: {  	s25 =	simm.s32 $0x1AC00  }
0x162: {  	[tilespmem:s25], [sflag:$0x4] =	stream.indirect_vreg.gather [hbm4b:s6+s3], $0x80, v3, vm0, $0xb8;
	[tilespmem:$0x1E400] =	vst v63  }
0x163: {  	v3 =	vld [tilespmem:s23+$0xFFFFFFA0];
	_ =	sdelay $0x4  }
0x164: {  	v57 =	vshrl.u32 v3, $0x3  }
0x165: {  	v4 =	vmul.u32 $0x30, v57  }
0x166: {  	v3 =	vand.u32 $0x7, v3  }
0x167: {  	v3 =	vor.u32 v3, v4  }
0x168: {  	v4 =	vperm.xlane v3, v0;
	_ =	sdelay $0x1  }
0x169: {  	v4 =	vadd.s32 v1, v4;
	_ =	sdelay $0x3  }
0x16a: {  	s25 =	simm.s32 $0x1B400;
	v3 =	vperm.xlane v3, v2  }
0x16b: {  	[tilespmem:s25], [sflag:$0x4] =	stream.indirect_vreg.gather [hbm4b:s1+s3], $0x80, v4, vm0, $0xb8;
	[tilespmem:$0x1E400] =	vst v63  }
0x16c: {  	v3 =	vadd.s32 v1, v3;
	s25 =	simm.s32 $0x1BC00  }
0x16d: {  	[tilespmem:s25], [sflag:$0x4] =	stream.indirect_vreg.gather [hbm4b:s5+s3], $0x80, v4, vm0, $0xb8;
	[tilespmem:$0x1E400] =	vst v63  }
0x16e: {  	s25 =	simm.s32 $0x1C400  }
0x16f: {  	[tilespmem:s25], [sflag:$0x4] =	stream.indirect_vreg.gather [hbm4b:s6+s3], $0x80, v4, vm0, $0xb8;
	[tilespmem:$0x1E400] =	vst v63  }
0x170: {  	s25 =	simm.s32 $0x1CC00  }
0x171: {  	[tilespmem:s25], [sflag:$0x4] =	stream.indirect_vreg.gather [hbm4b:s1+s3], $0x80, v3, vm0, $0xb8;
	[tilespmem:$0x1E400] =	vst v63  }
0x172: {  	s25 =	simm.s32 $0x1D400  }
0x173: {  	[tilespmem:s25], [sflag:$0x4] =	stream.indirect_vreg.gather [hbm4b:s5+s3], $0x80, v3, vm0, $0xb8;
	[tilespmem:$0x1E400] =	vst v63  }
0x174: {  	s25 =	simm.s32 $0x1DC00  }
0x175: {  	[tilespmem:s25], [sflag:$0x4] =	stream.indirect_vreg.gather [hbm4b:s6+s3], $0x80, v3, vm0, $0xb8;
	[tilespmem:$0x1E400] =	vst v63  }
0x176: {  	_ =	swait.ge [sflag:s7], $0x6000  }
0x177: {  	s9 =	rddreg [dreg:$0x6];
	[sflag:s7] =	ssyncset.done $0x0  }
0x178: {  	s29 =	simm.s32 $0xC400;
	[sflag:s7] =	ssyncadd.s32 $0xFFFFA000;
	s25 =	sadd.s32 s24, s9  }
0x179: {  	[hbm4b:s25+s3] =	stream.linear.scatter [tilespmem:s29], [sflag:$0x6], $0x6000, $0x38;
	[tilespmem:$0x1E400] =	vst v63  }
0x17a: {  	_ =	swait.ge [sflag:s16], $0x6000  }
0x17b: {  	[sflag:s16] =	ssyncset.done $0x0  }
0x17c: {  	[sflag:s16] =	ssyncadd.s32 $0xFFFFA000  }
0x17d: {  	v3 =	vld [tilespmem:s23+$0xFFFFFFB0];
	_ =	sdelay $0x4  }
0x17e: {  	v58 =	vshrl.u32 v3, $0x3  }
0x17f: {  	v4 =	vmul.u32 $0x30, v58  }
0x180: {  	v3 =	vand.u32 $0x7, v3  }
0x181: {  	v3 =	vor.u32 v3, v4  }
0x182: {  	v4 =	vperm.xlane v3, v0;
	_ =	sdelay $0x1  }
0x183: {  	v4 =	vadd.s32 v1, v4;
	_ =	sdelay $0x3  }
0x184: {  	v3 =	vperm.xlane v3, v2  }
0x185: {  	[tilespmem:s15], [sflag:$0x1] =	stream.indirect_vreg.gather [hbm4b:s1+s3], $0x80, v4, vm0, $0xb8;
	[tilespmem:$0x1E400] =	vst v63  }
0x186: {  	v3 =	vadd.s32 v1, v3  }
0x187: {  	[tilespmem:s26], [sflag:$0x1] =	stream.indirect_vreg.gather [hbm4b:s5+s3], $0x80, v4, vm0, $0xb8;
	[tilespmem:$0x1E400] =	vst v63  }
0x188: {  	_ = 	snop  }
0x189: {  	[tilespmem:s31], [sflag:$0x1] =	stream.indirect_vreg.gather [hbm4b:s6+s3], $0x80, v4, vm0, $0xb8;
	[tilespmem:$0x1E400] =	vst v63  }
0x18a: {  	s15 =	simm.s32 $0x7C00  }
0x18b: {  	[tilespmem:s15], [sflag:$0x1] =	stream.indirect_vreg.gather [hbm4b:s1+s3], $0x80, v3, vm0, $0xb8;
	[tilespmem:$0x1E400] =	vst v63  }
0x18c: {  	_ = 	snop  }
0x18d: {  	[tilespmem:s0], [sflag:$0x1] =	stream.indirect_vreg.gather [hbm4b:s5+s3], $0x80, v3, vm0, $0xb8;
	[tilespmem:$0x1E400] =	vst v63  }
0x18e: {  	s25 =	simm.s32 $0x8C00  }
0x18f: {  	[tilespmem:s25], [sflag:$0x1] =	stream.indirect_vreg.gather [hbm4b:s6+s3], $0x80, v3, vm0, $0xb8;
	[tilespmem:$0x1E400] =	vst v63  }
0x190: {  	v3 =	vld [tilespmem:s23+$0xFFFFFFC0];
	_ =	sdelay $0x4  }
0x191: {  	v59 =	vshrl.u32 v3, $0x3  }
0x192: {  	v4 =	vmul.u32 $0x30, v59  }
0x193: {  	v3 =	vand.u32 $0x7, v3  }
0x194: {  	v3 =	vor.u32 v3, v4  }
0x195: {  	v4 =	vperm.xlane v3, v0;
	_ =	sdelay $0x1  }
0x196: {  	v4 =	vadd.s32 v1, v4;
	_ =	sdelay $0x3  }
0x197: {  	v3 =	vperm.xlane v3, v2  }
0x198: {  	[tilespmem:s8], [sflag:$0x1] =	stream.indirect_vreg.gather [hbm4b:s1+s3], $0x80, v4, vm0, $0xb8;
	[tilespmem:$0x1E400] =	vst v63  }
0x199: {  	s15 =	simm.s32 $0x9C00;
	v3 =	vadd.s32 v1, v3  }
0x19a: {  	[tilespmem:s15], [sflag:$0x1] =	stream.indirect_vreg.gather [hbm4b:s5+s3], $0x80, v4, vm0, $0xb8;
	[tilespmem:$0x1E400] =	vst v63  }
0x19b: {  	_ = 	snop  }
0x19c: {  	[tilespmem:s10], [sflag:$0x1] =	stream.indirect_vreg.gather [hbm4b:s6+s3], $0x80, v4, vm0, $0xb8;
	[tilespmem:$0x1E400] =	vst v63  }
0x19d: {  	s25 =	simm.s32 $0xAC00  }
0x19e: {  	[tilespmem:s25], [sflag:$0x1] =	stream.indirect_vreg.gather [hbm4b:s1+s3], $0x80, v3, vm0, $0xb8;
	[tilespmem:$0x1E400] =	vst v63  }
0x19f: {  	_ = 	snop  }
0x1a0: {  	[tilespmem:s12], [sflag:$0x1] =	stream.indirect_vreg.gather [hbm4b:s5+s3], $0x80, v3, vm0, $0xb8;
	[tilespmem:$0x1E400] =	vst v63  }
0x1a1: {  	_ = 	snop  }
0x1a2: {  	[tilespmem:s13], [sflag:$0x1] =	stream.indirect_vreg.gather [hbm4b:s6+s3], $0x80, v3, vm0, $0xb8;
	[tilespmem:$0x1E400] =	vst v63  }
0x1a3: {  	_ =	swait.ge [sflag:s18], $0x6000  }
0x1a4: {  	s9 =	rddreg [dreg:$0x7];
	[sflag:s18] =	ssyncset.done $0x0  }
0x1a5: {  	[sflag:s18] =	ssyncadd.s32 $0xFFFFA000;
	s25 =	sadd.s32 s24, s9;
	s9 =	simm.s32 $0x12400  }
0x1a6: {  	[hbm4b:s25+s3] =	stream.linear.scatter [tilespmem:s9], [sflag:$0x7], $0x6000, $0x38;
	[tilespmem:$0x1E400] =	vst v63  }
0x1a7: {  	_ =	swait.ge [sflag:s19], $0x6000  }
0x1a8: {  	[sflag:s19] =	ssyncset.done $0x0  }
0x1a9: {  	[sflag:s19] =	ssyncadd.s32 $0xFFFFA000  }
0x1aa: {  	v3 =	vld [tilespmem:s23+$0xFFFFFFD0];
	_ =	sdelay $0x4  }
0x1ab: {  	v60 =	vshrl.u32 v3, $0x3  }
0x1ac: {  	v4 =	vmul.u32 $0x30, v60  }
0x1ad: {  	v3 =	vand.u32 $0x7, v3  }
0x1ae: {  	v3 =	vor.u32 v3, v4  }
0x1af: {  	v4 =	vperm.xlane v3, v0;
	_ =	sdelay $0x1  }
0x1b0: {  	v4 =	vadd.s32 v1, v4;
	_ =	sdelay $0x3  }
0x1b1: {  	v3 =	vperm.xlane v3, v2  }
0x1b2: {  	[tilespmem:s29], [sflag:$0x2] =	stream.indirect_vreg.gather [hbm4b:s1+s3], $0x80, v4, vm0, $0xb8;
	[tilespmem:$0x1E400] =	vst v63  }
0x1b3: {  	v3 =	vadd.s32 v1, v3  }
0x1b4: {  	[tilespmem:s14], [sflag:$0x2] =	stream.indirect_vreg.gather [hbm4b:s5+s3], $0x80, v4, vm0, $0xb8;
	[tilespmem:$0x1E400] =	vst v63  }
0x1b5: {  	_ = 	snop  }
0x1b6: {  	[tilespmem:s17], [sflag:$0x2] =	stream.indirect_vreg.gather [hbm4b:s6+s3], $0x80, v4, vm0, $0xb8;
	[tilespmem:$0x1E400] =	vst v63  }
0x1b7: {  	s29 =	simm.s32 $0xDC00  }
0x1b8: {  	[tilespmem:s29], [sflag:$0x2] =	stream.indirect_vreg.gather [hbm4b:s1+s3], $0x80, v3, vm0, $0xb8;
	[tilespmem:$0x1E400] =	vst v63  }
0x1b9: {  	_ = 	snop  }
0x1ba: {  	[tilespmem:s2], [sflag:$0x2] =	stream.indirect_vreg.gather [hbm4b:s5+s3], $0x80, v3, vm0, $0xb8;
	[tilespmem:$0x1E400] =	vst v63  }
0x1bb: {  	_ = 	snop  }
0x1bc: {  	[tilespmem:s4], [sflag:$0x2] =	stream.indirect_vreg.gather [hbm4b:s6+s3], $0x80, v3, vm0, $0xb8;
	[tilespmem:$0x1E400] =	vst v63  }
0x1bd: {  	v3 =	vld [tilespmem:s23+$0xFFFFFFE0];
	_ =	sdelay $0x4  }
0x1be: {  	v61 =	vshrl.u32 v3, $0x3  }
0x1bf: {  	v4 =	vmul.u32 $0x30, v61  }
0x1c0: {  	v3 =	vand.u32 $0x7, v3  }
0x1c1: {  	v3 =	vor.u32 v3, v4  }
0x1c2: {  	v4 =	vperm.xlane v3, v0;
	_ =	sdelay $0x1  }
0x1c3: {  	v4 =	vadd.s32 v1, v4;
	_ =	sdelay $0x3  }
0x1c4: {  	s25 =	simm.s32 $0xF400;
	v3 =	vperm.xlane v3, v2  }
0x1c5: {  	[tilespmem:s25], [sflag:$0x2] =	stream.indirect_vreg.gather [hbm4b:s1+s3], $0x80, v4, vm0, $0xb8;
	[tilespmem:$0x1E400] =	vst v63  }
0x1c6: {  	v3 =	vadd.s32 v1, v3;
	s25 =	simm.s32 $0xFC00  }
0x1c7: {  	[tilespmem:s25], [sflag:$0x2] =	stream.indirect_vreg.gather [hbm4b:s5+s3], $0x80, v4, vm0, $0xb8;
	[tilespmem:$0x1E400] =	vst v63  }
0x1c8: {  	s25 =	simm.s32 $0x10400  }
0x1c9: {  	[tilespmem:s25], [sflag:$0x2] =	stream.indirect_vreg.gather [hbm4b:s6+s3], $0x80, v4, vm0, $0xb8;
	[tilespmem:$0x1E400] =	vst v63  }
0x1ca: {  	s25 =	simm.s32 $0x10C00  }
0x1cb: {  	[tilespmem:s25], [sflag:$0x2] =	stream.indirect_vreg.gather [hbm4b:s1+s3], $0x80, v3, vm0, $0xb8;
	[tilespmem:$0x1E400] =	vst v63  }
0x1cc: {  	s25 =	simm.s32 $0x11400  }
0x1cd: {  	[tilespmem:s25], [sflag:$0x2] =	stream.indirect_vreg.gather [hbm4b:s5+s3], $0x80, v3, vm0, $0xb8;
	[tilespmem:$0x1E400] =	vst v63  }
0x1ce: {  	s25 =	simm.s32 $0x11C00  }
0x1cf: {  	[tilespmem:s25], [sflag:$0x2] =	stream.indirect_vreg.gather [hbm4b:s6+s3], $0x80, v3, vm0, $0xb8;
	[tilespmem:$0x1E400] =	vst v63  }
0x1d0: {  	_ =	swait.ge [sflag:s20], $0x6000  }
0x1d1: {  	s25 =	rddreg [dreg:$0x5];
	[sflag:s20] =	ssyncset.done $0x0  }
0x1d2: {  	[sflag:s20] =	ssyncadd.s32 $0xFFFFA000;
	s25 =	sadd.s32 s24, s25  }
0x1d3: {  	[hbm4b:s25+s3] =	stream.linear.scatter [tilespmem:s11], [sflag:$0x8], $0x6000, $0x38;
	[tilespmem:$0x1E400] =	vst v63  }
0x1d4: {  	_ =	swait.ge [sflag:s21], $0x6000  }
0x1d5: {  	[sflag:s21] =	ssyncset.done $0x0  }
0x1d6: {  	[sflag:s21] =	ssyncadd.s32 $0xFFFFA000  }
0x1d7: {  	v3 =	vld [tilespmem:s23+$0xFFFFFFF0];
	_ =	sdelay $0x4  }
0x1d8: {  	v62 =	vshrl.u32 v3, $0x3  }
0x1d9: {  	v4 =	vmul.u32 $0x30, v62  }
0x1da: {  	v3 =	vand.u32 $0x7, v3  }
0x1db: {  	v3 =	vor.u32 v3, v4  }
0x1dc: {  	v4 =	vperm.xlane v3, v0;
	_ =	sdelay $0x1  }
0x1dd: {  	v4 =	vadd.s32 v1, v4;
	_ =	sdelay $0x3  }
0x1de: {  	v3 =	vperm.xlane v3, v2  }
0x1df: {  	[tilespmem:s9], [sflag:$0x3] =	stream.indirect_vreg.gather [hbm4b:s1+s3], $0x80, v4, vm0, $0xb8;
	[tilespmem:$0x1E400] =	vst v63  }
0x1e0: {  	s11 =	simm.s32 $0x12C00;
	v3 =	vadd.s32 v1, v3  }
0x1e1: {  	[tilespmem:s11], [sflag:$0x3] =	stream.indirect_vreg.gather [hbm4b:s5+s3], $0x80, v4, vm0, $0xb8;
	[tilespmem:$0x1E400] =	vst v63  }
0x1e2: {  	s11 =	simm.s32 $0x13400  }
0x1e3: {  	[tilespmem:s11], [sflag:$0x3] =	stream.indirect_vreg.gather [hbm4b:s6+s3], $0x80, v4, vm0, $0xb8;
	[tilespmem:$0x1E400] =	vst v63  }
0x1e4: {  	s11 =	simm.s32 $0x13C00  }
0x1e5: {  	[tilespmem:s11], [sflag:$0x3] =	stream.indirect_vreg.gather [hbm4b:s1+s3], $0x80, v3, vm0, $0xb8;
	[tilespmem:$0x1E400] =	vst v63  }
0x1e6: {  	s11 =	simm.s32 $0x14400  }
0x1e7: {  	[tilespmem:s11], [sflag:$0x3] =	stream.indirect_vreg.gather [hbm4b:s5+s3], $0x80, v3, vm0, $0xb8;
	[tilespmem:$0x1E400] =	vst v63  }
0x1e8: {  	s11 =	simm.s32 $0x14C00  }
0x1e9: {  	[tilespmem:s11], [sflag:$0x3] =	stream.indirect_vreg.gather [hbm4b:s6+s3], $0x80, v3, vm0, $0xb8;
	[tilespmem:$0x1E400] =	vst v63  }
0x1ea: {  	v3 =	vld [tilespmem:s23+$0x0];
	_ =	sdelay $0x4  }
0x1eb: {  	v63 =	vshrl.u32 v3, $0x3  }
0x1ec: {  	v4 =	vmul.u32 $0x30, v63  }
0x1ed: {  	v3 =	vand.u32 $0x7, v3  }
0x1ee: {  	v3 =	vor.u32 v3, v4  }
0x1ef: {  	v4 =	vperm.xlane v3, v0;
	_ =	sdelay $0x1  }
0x1f0: {  	v4 =	vadd.s32 v1, v4;
	_ =	sdelay $0x3  }
0x1f1: {  	s11 =	simm.s32 $0x15400;
	v3 =	vperm.xlane v3, v2  }
0x1f2: {  	[tilespmem:s11], [sflag:$0x3] =	stream.indirect_vreg.gather [hbm4b:s1+s3], $0x80, v4, vm0, $0xb8;
	[tilespmem:$0x1E400] =	vst v63  }
0x1f3: {  	v3 =	vadd.s32 v1, v3;
	s11 =	simm.s32 $0x15C00  }
0x1f4: {  	[tilespmem:s11], [sflag:$0x3] =	stream.indirect_vreg.gather [hbm4b:s5+s3], $0x80, v4, vm0, $0xb8;
	[tilespmem:$0x1E400] =	vst v63  }
0x1f5: {  	s11 =	simm.s32 $0x16400  }
0x1f6: {  	[tilespmem:s11], [sflag:$0x3] =	stream.indirect_vreg.gather [hbm4b:s6+s3], $0x80, v4, vm0, $0xb8;
	[tilespmem:$0x1E400] =	vst v63  }
0x1f7: {  	p0 =	sne.s32 s24, $0x24F000;
	s11 =	simm.s32 $0x16C00  }
0x1f8: {  	[tilespmem:s11], [sflag:$0x3] =	stream.indirect_vreg.gather [hbm4b:s1+s3], $0x80, v3, vm0, $0xb8;
	[tilespmem:$0x1E400] =	vst v63  }
.Ltmp0:
0x1f9: {  	s30 =	simm.s32 $0x6400;
	(pc) =	sbr.rel @p0 .LBB2_2-.Ltmp0, $4  }
0x1fa: {  	s15 =	simm.s32 $0xC400;
	s24 =	sadd.s32 $0x3000, s24;
	s11 =	simm.s32 $0x17400  }
0x1fb: {  	[tilespmem:s11], [sflag:$0x3] =	stream.indirect_vreg.gather [hbm4b:s5+s3], $0x80, v3, vm0, $0xb8;
	[tilespmem:$0x1E400] =	vst v63  }
0x1fc: {  	s25 =	simm.s32 $0x12400;
	s23 =	sadd.s32 $0x80, s23;
	s11 =	simm.s32 $0x17C00  }
0x1fd: {  	[tilespmem:s11], [sflag:$0x3] =	stream.indirect_vreg.gather [hbm4b:s6+s3], $0x80, v3, vm0, $0xb8;
	[tilespmem:$0x1E400] =	vst v63  }
0x1fe: {  	_ =	swait.ge [sflag:s28], $0x6000  }
0x1ff: {  	[sflag:s28] =	ssyncset.done $0x0  }
0x200: {  	s23 =	rddreg [dreg:$0xd];
	[sflag:s28] =	ssyncadd.s32 $0xFFFFA000  }
0x201: {  	[hbm4b:s23+s3] =	stream.linear.scatter [tilespmem:s30], [sflag:$0x5], $0x6000, $0x38;
	[tilespmem:$0x1E400] =	vst v63  }
0x202: {  	_ =	swait.ge [sflag:s22], $0x6000  }
0x203: {  	[sflag:s22] =	ssyncset.done $0x0  }
0x204: {  	[sflag:s22] =	ssyncadd.s32 $0xFFFFA000  }
0x205: {  	v3 =	vld [tilespmem:$0x63E0];
	_ =	sdelay $0x4  }
0x206: {  	v4 =	vshrl.u32 v3, $0x3  }
0x207: {  	v4 =	vmul.u32 $0x30, v4  }
0x208: {  	v3 =	vand.u32 $0x7, v3  }
0x209: {  	v3 =	vor.u32 v3, v4  }
0x20a: {  	v4 =	vperm.xlane v3, v0;
	_ =	sdelay $0x1  }
0x20b: {  	v4 =	vadd.s32 v1, v4;
	_ =	sdelay $0x3  }
0x20c: {  	s0 =	simm.s32 $0x18400;
	v3 =	vperm.xlane v3, v2  }
0x20d: {  	[tilespmem:s0], [sflag:$0x4] =	stream.indirect_vreg.gather [hbm4b:s1+s3], $0x80, v4, vm0, $0xb8;
	[tilespmem:$0x1E400] =	vst v63  }
0x20e: {  	s2 =	simm.s32 $0x18C00;
	v3 =	vadd.s32 v1, v3  }
0x20f: {  	[tilespmem:s2], [sflag:$0x4] =	stream.indirect_vreg.gather [hbm4b:s5+s3], $0x80, v4, vm0, $0xb8;
	[tilespmem:$0x1E400] =	vst v63  }
0x210: {  	s23 =	simm.s32 $0x19400  }
0x211: {  	[tilespmem:s23], [sflag:$0x4] =	stream.indirect_vreg.gather [hbm4b:s6+s3], $0x80, v4, vm0, $0xb8;
	[tilespmem:$0x1E400] =	vst v63  }
0x212: {  	s24 =	simm.s32 $0x19C00  }
0x213: {  	[tilespmem:s24], [sflag:$0x4] =	stream.indirect_vreg.gather [hbm4b:s1+s3], $0x80, v3, vm0, $0xb8;
	[tilespmem:$0x1E400] =	vst v63  }
0x214: {  	s26 =	simm.s32 $0x1A400  }
0x215: {  	[tilespmem:s26], [sflag:$0x4] =	stream.indirect_vreg.gather [hbm4b:s5+s3], $0x80, v3, vm0, $0xb8;
	[tilespmem:$0x1E400] =	vst v63  }
0x216: {  	s4 =	simm.s32 $0x1AC00  }
0x217: {  	[tilespmem:s4], [sflag:$0x4] =	stream.indirect_vreg.gather [hbm4b:s6+s3], $0x80, v3, vm0, $0xb8;
	[tilespmem:$0x1E400] =	vst v63  }
0x218: {  	v3 =	vld [tilespmem:$0x63F0];
	_ =	sdelay $0x4  }
0x219: {  	v63 =	vshrl.u32 v3, $0x3  }
0x21a: {  	v4 =	vmul.u32 $0x30, v63  }
0x21b: {  	v3 =	vand.u32 $0x7, v3  }
0x21c: {  	v3 =	vor.u32 v3, v4  }
0x21d: {  	v4 =	vperm.xlane v3, v0;
	_ =	sdelay $0x1  }
0x21e: {  	v4 =	vadd.s32 v1, v4;
	_ =	sdelay $0x3  }
0x21f: {  	s8 =	simm.s32 $0x1B400;
	v3 =	vperm.xlane v3, v2  }
0x220: {  	[tilespmem:s8], [sflag:$0x4] =	stream.indirect_vreg.gather [hbm4b:s1+s3], $0x80, v4, vm0, $0xb8;
	[tilespmem:$0x1E400] =	vst v63  }
0x221: {  	s9 =	simm.s32 $0x1BC00;
	v3 =	vadd.s32 v1, v3  }
0x222: {  	[tilespmem:s9], [sflag:$0x4] =	stream.indirect_vreg.gather [hbm4b:s5+s3], $0x80, v4, vm0, $0xb8;
	[tilespmem:$0x1E400] =	vst v63  }
0x223: {  	s10 =	simm.s32 $0x1C400  }
0x224: {  	[tilespmem:s10], [sflag:$0x4] =	stream.indirect_vreg.gather [hbm4b:s6+s3], $0x80, v4, vm0, $0xb8;
	[tilespmem:$0x1E400] =	vst v63  }
0x225: {  	s11 =	simm.s32 $0x1CC00  }
0x226: {  	[tilespmem:s11], [sflag:$0x4] =	stream.indirect_vreg.gather [hbm4b:s1+s3], $0x80, v3, vm0, $0xb8;
	[tilespmem:$0x1E400] =	vst v63  }
0x227: {  	s12 =	simm.s32 $0x1D400  }
0x228: {  	[tilespmem:s12], [sflag:$0x4] =	stream.indirect_vreg.gather [hbm4b:s5+s3], $0x80, v3, vm0, $0xb8;
	[tilespmem:$0x1E400] =	vst v63  }
0x229: {  	s13 =	simm.s32 $0x1DC00  }
0x22a: {  	[tilespmem:s13], [sflag:$0x4] =	stream.indirect_vreg.gather [hbm4b:s6+s3], $0x80, v3, vm0, $0xb8;
	[tilespmem:$0x1E400] =	vst v63  }
0x22b: {  	_ =	swait.ge [sflag:s7], $0x6000  }
0x22c: {  	[sflag:s7] =	ssyncset.done $0x0  }
0x22d: {  	s14 =	rddreg [dreg:$0xe];
	[sflag:s7] =	ssyncadd.s32 $0xFFFFA000  }
0x22e: {  	[hbm4b:s14+s3] =	stream.linear.scatter [tilespmem:s15], [sflag:$0x6], $0x6000, $0x38;
	[tilespmem:$0x1E400] =	vst v63  }
0x22f: {  	_ =	swait.ge [sflag:s18], $0x6000  }
0x230: {  	[sflag:s18] =	ssyncset.done $0x0  }
0x231: {  	s17 =	rddreg [dreg:$0xf];
	[sflag:s18] =	ssyncadd.s32 $0xFFFFA000  }
0x232: {  	[hbm4b:s17+s3] =	stream.linear.scatter [tilespmem:s25], [sflag:$0x7], $0x6000, $0x38;
	[tilespmem:$0x1E400] =	vst v63  }
0x233: {  	_ =	swait.ge [sflag:s20], $0x6000  }
0x234: {  	[sflag:s20] =	ssyncset.done $0x0  }
0x235: {  	s24 =	rddreg [dreg:$0x10];
	[sflag:s20] =	ssyncadd.s32 $0xFFFFA000  }
0x236: {  	[hbm4b:s24+s3] =	stream.linear.scatter [tilespmem:s0], [sflag:$0x8], $0x6000, $0x38;
	[tilespmem:$0x1E400] =	vst v63  }
0x237: {  	_ =	swait.ge [sflag:s16], $0x6000  }
0x238: {  	[sflag:s16] =	ssyncset.done $0x0  }
0x239: {  	[sflag:s16] =	ssyncadd.s32 $0xFFFFA000  }
0x23a: {  	_ =	swait.ge [sflag:s19], $0x6000  }
0x23b: {  	[sflag:s19] =	ssyncset.done $0x0  }
0x23c: {  	[sflag:s19] =	ssyncadd.s32 $0xFFFFA000  }
0x23d: {  	_ =	swait.ge [sflag:s21], $0x6000  }
0x23e: {  	[sflag:s21] =	ssyncset.done $0x0  }
0x23f: {  	[sflag:s21] =	ssyncadd.s32 $0xFFFFA000  }
0x240: {  	_ =	swait.ge [sflag:s22], $0x6000  }
0x241: {  	s25 =	rddreg [dreg:$0x12]  }
0x242: {  	s31 =	simm.s32 $0xEC00;
	s26 =	rddreg [dreg:$0x11];
	s15 =	sadd.s32 $0x1, s25  }
0x243: {  	s30 =	simm.s32 $0xE400;
	s2 =	simm.s32 $0x8400;
	p0 =	sne.s32 s15, s26  }
.Ltmp1:
0x244: {  	s4 =	simm.s32 $0x9400;
	s8 =	simm.s32 $0x9C00;
	(pc) =	sbr.rel @p0 .LBB2_1-.Ltmp1, $4  }
0x245: {  	s9 =	simm.s32 $0xA400;
	s10 =	simm.s32 $0xAC00;
	s11 =	simm.s32 $0xB400  }
0x246: {  	s12 =	simm.s32 $0xBC00;
	s13 =	simm.s32 $0xCC00;
	s14 =	simm.s32 $0xD400  }
0x247: {  	s24 =	simm.s32 $0x6C00;
	s0 =	simm.s32 $0x8C00;
	[sflag:s22] =	ssyncset.done $0x0  }
0x248: {  	[sflag:s22] =	ssyncadd.s32 $0xFFFFA000;
	s25 =	simm.s32 $0x7400;
	s26 =	simm.s32 $0x7C00  }
0x249: {  	_ =	sfence.sel $0x180000  }
0x24a: {  	[bflag:$0x0] =	sbarrier.arrive $0xFFFF  }
0x24b: {  	_ =	strace $0x90000047  }
0x24c: {  	s0 =	stileid.u32;
	[bflag:$0x2] =	sbarrier.arrive $0xFFFF  }
0x24d: {  	p0 =	sne.s32 s0, $0x0;
	s0 =	rddreg [dreg:$0x3]  }
0x24e: {  	s0 =	sadd.s32 @!p0 $0x100000, s0  }
0x24f: {  	[sflag:s0] =	ssyncadd.tile.s32 @!p0 $0x1;
	_ =	shalt  }
.Lfunc_end2:
_tile_overlayer_lowered:
.L_overlay_start_2:
0x250: {  	(tag) =	ssettag $0x2  }
0x251: {  	s0 =	rddreg [dreg:$0x0];
	s2 =	stileid.u32  }
0x252: {  	s1 =	rddreg [dreg:$0x1];
	p0 =	sne.s32 s2, $0x0  }
0x253: {  	s3 =	rddreg [dreg:$0x2];
	[bflag:$0x3] =	sbarrier.arrive $0xFFFF;
	s2 =	simm.s32 @!p0 $0x1C09  }
0x254: {  	[timem:s3], [sflag:s2] =	dma.local @!p0 [hbm:s0], s1  }
0x255: {  	s0 =	simm.s32 @!p0 $0x9  }
0x256: {  	_ =	swait.ge @!p0 [sflag:s0], s1  }
0x257: {  	s1 =	ssub.s32 @!p0 $0x0, s1;
	[sflag:s0] =	ssyncset.done @!p0 $0x0  }
0x258: {  	[sflag:s0] =	ssyncadd.s32 @!p0 s1  }
0x259: {  	[bflag:$0x3] =	sbarrier.arrive $0xFFFF  }
0x25a: {  	_ =	shalt  }

</sc_bundles>
